<compile_context>
chip_gen: v7x
topology: tpu7x:2x2x1
jax: 0.10.2.dev20260603
libtpu: 0.0.44.dev20260713+nightly
codegen_flags: <defaults>
</compile_context>

<pallas_src>
import functools

import jax
import jax.numpy as jnp
import numpy as np
from jax import lax
from jax.experimental import pallas as pl
from jax.experimental.pallas import tpu as pltpu
from jax.experimental.pallas import tpu_sc as plsc

NC = 2
NS = 16
NL = 16
NW = NC * NS
CW = 128


def _sc_mesh():
    return plsc.VectorSubcoreMesh(
        core_axis_name="c", subcore_axis_name="s", num_cores=NC, num_subcores=NS
    )


def _make_deg_kernel(N_pad, CB):
    n_per_tile = N_pad // NS

    @functools.partial(
        pl.kernel,
        out_type=jax.ShapeDtypeStruct((NC, N_pad), jnp.float32),
        mesh=_sc_mesh(),
        scratch_types=[
            pltpu.VMEM((CB, CW), jnp.int32),
            pltpu.VMEM((CW,), jnp.float32),
            pltpu.VMEM((n_per_tile,), jnp.float32),
            pltpu.VMEM_SHARED((N_pad,), jnp.float32),
            pltpu.SemaphoreType.DMA,
        ],
    )
    def deg_kernel(edges_hbm, out_hbm, idx_v, ones_v, zeros_v, acc_sh, sem):
        c = lax.axis_index("c")
        s = lax.axis_index("s")
        wid = c * NS + s

        def fill_ones(i, _):
            ones_v[pl.ds(i * NL, NL)] = jnp.ones((NL,), jnp.float32)
            return 0

        lax.fori_loop(0, CW // NL, fill_ones, 0)

        def fill_zeros(i, _):
            zeros_v[pl.ds(i * NL, NL)] = jnp.zeros((NL,), jnp.float32)
            return 0

        lax.fori_loop(0, n_per_tile // NL, fill_zeros, 0)
        pltpu.sync_copy(zeros_v, acc_sh.at[pl.ds(s * n_per_tile, n_per_tile)])
        pltpu.sync_copy(edges_hbm.at[1, pl.ds(wid * CB, CB)], idx_v)
        plsc.subcore_barrier()

        W_IN_FLIGHT = 8

        def body(j, _):
            pltpu.async_copy(ones_v, acc_sh.at[idx_v.at[j]], sem, add=True)

            @pl.when(j >= W_IN_FLIGHT)
            def _():
                pltpu.make_async_copy(
                    ones_v, acc_sh.at[idx_v.at[j - W_IN_FLIGHT]], sem).wait()

            return 0

        lax.fori_loop(0, CB, body, 0)

        drain_start = max(0, CB - W_IN_FLIGHT)

        def drain(j, _):
            pltpu.make_async_copy(
                ones_v, acc_sh.at[idx_v.at[drain_start + j]], sem).wait()
            return 0

        lax.fori_loop(0, CB - drain_start, drain, 0)
        plsc.subcore_barrier()
        sl = pl.ds(s * n_per_tile, n_per_tile)
        pltpu.sync_copy(acc_sh.at[sl], out_hbm.at[c, sl])

    return deg_kernel


def _make_agg_kernel(N_pad, CB, D, PH):
    n_per_tile = N_pad // NS
    assert CB % PH == 0 and PH % 2 == 0

    @functools.partial(
        pl.kernel,
        out_type=jax.ShapeDtypeStruct((NC, N_pad, D), jnp.float32),
        mesh=_sc_mesh(),
        scratch_types=[
            pltpu.VMEM((PH, CW), jnp.int32),
            pltpu.VMEM((PH, CW), jnp.int32),
            pltpu.VMEM((CW, D), jnp.float32),
            pltpu.VMEM((CW, D), jnp.float32),
            pltpu.VMEM_SHARED((N_pad, D), jnp.float32),
            pltpu.SemaphoreType.DMA,
            pltpu.SemaphoreType.DMA,
        ],
    )
    def agg_kernel(edges_hbm, h2_hbm, out_hbm, si_v, di_v, rows0_v,
                   rows1_v, acc_sh, gsem, ssem):
        c = lax.axis_index("c")
        s = lax.axis_index("s")
        wid = c * NS + s
        cols = D // NL

        def fill_zeros(i, _):
            rows0_v[i // cols, pl.ds((i % cols) * NL, NL)] = jnp.zeros(
                (NL,), jnp.float32)
            return 0

        lax.fori_loop(0, CW * cols, fill_zeros, 0)

        def zero_acc(i, _):
            pltpu.sync_copy(
                rows0_v, acc_sh.at[pl.ds(s * n_per_tile + i * CW, CW)])
            return 0

        lax.fori_loop(0, n_per_tile // CW, zero_acc, 0)
        plsc.subcore_barrier()

        for ph in range(CB // PH):
            base = wid * CB + ph * PH
            pltpu.sync_copy(edges_hbm.at[0, pl.ds(base, PH)], si_v)
            pltpu.sync_copy(edges_hbm.at[1, pl.ds(base, PH)], di_v)

            pltpu.async_copy(h2_hbm.at[si_v.at[0]], rows0_v, gsem)

            def pair(jj, _):
                j0 = jj * 2
                j1 = j0 + 1
                pltpu.make_async_copy(
                    h2_hbm.at[si_v.at[j0]], rows0_v, gsem).wait()
                pltpu.async_copy(rows0_v, acc_sh.at[di_v.at[j0]], ssem,
                                 add=True)

                @pl.when(jj >= 1)
                def _():
                    pltpu.make_async_copy(
                        rows1_v, acc_sh.at[di_v.at[j0 - 1]], ssem).wait()

                pltpu.async_copy(h2_hbm.at[si_v.at[j1]], rows1_v, gsem)
                pltpu.make_async_copy(
                    h2_hbm.at[si_v.at[j1]], rows1_v, gsem).wait()
                pltpu.async_copy(rows1_v, acc_sh.at[di_v.at[j1]], ssem,
                                 add=True)
                pltpu.make_async_copy(
                    rows0_v, acc_sh.at[di_v.at[j0]], ssem).wait()

                @pl.when(j1 + 1 < PH)
                def _():
                    pltpu.async_copy(h2_hbm.at[si_v.at[j1 + 1]], rows0_v, gsem)

                return 0

            lax.fori_loop(0, PH // 2, pair, 0)
            pltpu.make_async_copy(
                rows1_v, acc_sh.at[di_v.at[PH - 1]], ssem).wait()

        plsc.subcore_barrier()
        sl = pl.ds(s * n_per_tile, n_per_tile)
        pltpu.sync_copy(acc_sh.at[sl], out_hbm.at[c, sl])

    return agg_kernel


def _prep_call(x, W, deg2t, N_pad, block_rows):
    N, D_in = x.shape
    D_out = W.shape[1]

    def body(x_ref, w_ref, deg_ref, h2_ref):
        deg = deg_ref[:, 0:1] + deg_ref[:, 1:2] + 1.0
        dis = lax.rsqrt(deg)
        h = jnp.dot(x_ref[...], w_ref[...], preferred_element_type=jnp.float32)
        h2_ref[...] = h * dis

    return pl.pallas_call(
        body,
        grid=(N_pad // block_rows,),
        in_specs=[
            pl.BlockSpec((block_rows, D_in), lambda i: (i, 0)),
            pl.BlockSpec((D_in, D_out), lambda i: (0, 0)),
            pl.BlockSpec((block_rows, NC), lambda i: (i, 0)),
        ],
        out_specs=pl.BlockSpec((block_rows, D_out), lambda i: (i, 0)),
        out_shape=jax.ShapeDtypeStruct((N_pad, D_out), jnp.float32),
    )(x, W, deg2t)


def _combine_call(acc, h2, deg2t, b2d, N, block_rows):
    _, N_pad, D = acc.shape

    def body(a0_ref, a1_ref, h2_ref, deg_ref, b_ref, o_ref):
        deg = deg_ref[:, 0:1] + deg_ref[:, 1:2] + 1.0
        dis = lax.rsqrt(deg)
        o_ref[...] = dis * (a0_ref[0] + a1_ref[0] + h2_ref[...]) + b_ref[...]

    return pl.pallas_call(
        body,
        grid=(N_pad // block_rows,),
        in_specs=[
            pl.BlockSpec((1, block_rows, D), lambda i: (0, i, 0)),
            pl.BlockSpec((1, block_rows, D), lambda i: (1, i, 0)),
            pl.BlockSpec((block_rows, D), lambda i: (i, 0)),
            pl.BlockSpec((block_rows, NC), lambda i: (i, 0)),
            pl.BlockSpec((1, D), lambda i: (0, 0)),
        ],
        out_specs=pl.BlockSpec((block_rows, D), lambda i: (i, 0)),
        out_shape=jax.ShapeDtypeStruct((N, D), jnp.float32),
    )(acc, acc, h2, deg2t, b2d)


def kernel(x, edge_index, W, b):
    N, D_in = x.shape
    D_out = W.shape[1]
    E = edge_index.shape[1]

    n_per_tile = -(-N // (NS * CW)) * CW
    N_pad = NS * n_per_tile
    if N_pad == N:
        N_pad += NS * CW
        n_per_tile = N_pad // NS

    assert E % CW == 0, "edge count must be a multiple of the chunk width"
    R = E // CW
    CB = 8 * -(-R // (NW * 8))
    R_pad = NW * CB
    edges_r = edge_index.reshape(2, R, CW)
    if R_pad > R:
        nfill = (R_pad - R) * CW
        fill_src = np.arange(nfill, dtype=np.int64) % N
        fill_dst = N + np.arange(nfill, dtype=np.int64) % (N_pad - N)
        fills = np.stack([fill_src.reshape(R_pad - R, CW),
                          fill_dst.reshape(R_pad - R, CW)]).astype(np.int32)
        edges_r = jnp.concatenate([edges_r, jnp.asarray(fills)], axis=1)

    deg2 = _make_deg_kernel(N_pad, CB)(edges_r)
    deg2t = deg2.T
    h2 = _prep_call(x, W, deg2t, N_pad, 2048)
    acc = _make_agg_kernel(N_pad, CB, D_out, CB // 2)(edges_r, h2)
    out = _combine_call(acc, h2, deg2t, b.reshape(1, D_out), N, 2048)
    return out

# --- scband reference (transcript-rebuilt; emitter-appended) ---
"""Pipeline reference for scband-linear-encoder-4363686773057 (READ-ONLY COPY).

The authoritative reference and input builder live on the scoring server;
editing this copy changes nothing except your own understanding.
"""

import jax, jax.numpy as jnp
import numpy as np

N = 10000
E = 320000
D_IN = 128
D_OUT = 128


def setup_inputs(seed: int = 0) -> dict:
    key = jax.random.key(seed)
    k1, k2, k3 = jax.random.split(key, 3)
    x = jax.random.normal(k1, (N, D_IN), dtype=jnp.float32)
    edge_index = jax.random.randint(k2, (2, E), 0, N, dtype=jnp.int32)
    # GCNConv learned params: linear weight (glorot) and bias (zeros)
    W = jax.random.normal(k3, (D_IN, D_OUT), dtype=jnp.float32) * (1.0 / np.sqrt(D_IN))
    b = jnp.zeros((D_OUT,), dtype=jnp.float32)
    return {"x": x, "edge_index": edge_index, "W": W, "b": b}


def reference(x, edge_index, W, b):
    # Faithful GCNConv (PyG) forward: linear transform, add self-loops,
    # symmetric deg^-1/2 normalization, scatter-add aggregation, bias.
    n = x.shape[0]
    loop = jnp.arange(n, dtype=edge_index.dtype)
    src = jnp.concatenate([edge_index[0], loop])
    dst = jnp.concatenate([edge_index[1], loop])
    # degree of destination nodes (with self-loops)
    deg = jnp.zeros((n,), dtype=x.dtype).at[dst].add(1.0)
    deg_inv_sqrt = jnp.where(deg > 0, jax.lax.rsqrt(deg), 0.0)
    norm = deg_inv_sqrt[src] * deg_inv_sqrt[dst]
    h = x @ W
    msg = norm[:, None] * jnp.take(h, src, axis=0)
    out = jnp.zeros((n, h.shape[1]), dtype=h.dtype).at[dst].add(msg)
    return out + b

if __name__ == "__main__":
    import jax
    _d = setup_inputs()
    print(jax.jit(kernel)(*tuple(_d.values())))

</pallas_src>

<mosaic_0001>
#map = affine_map<(d0, d1) -> (0, 0, 0)>
#map1 = affine_map<(d0, d1) -> (0, 0)>
module attributes {stable_mosaic.version = 14 : i64} {
  func.func @agg_kernel(%arg0: i32, %arg1: i32, %arg2: memref<2x2560x128xi32, #tpu.memory_space<hbm>>, %arg3: memref<10240x128xf32, #tpu.memory_space<hbm>>, %arg4: memref<2x10240x128xf32, #tpu.memory_space<hbm>>, %arg5: memref<40x128xi32, #tpu.memory_space<vmem>>, %arg6: memref<40x128xi32, #tpu.memory_space<vmem>>, %arg7: memref<128x128xf32, #tpu.memory_space<vmem>>, %arg8: memref<128x128xf32, #tpu.memory_space<vmem>>, %arg9: memref<10240x128xf32, #tpu.memory_space<vmem_shared>>, %arg10: memref<!tpu.dma_semaphore, #tpu.memory_space<semaphore_mem>>, %arg11: memref<!tpu.dma_semaphore, #tpu.memory_space<semaphore_mem>>) attributes {dimension_semantics = [#tpu.dimension_semantics<core_parallel>, #tpu.dimension_semantics<subcore_parallel>], iteration_bounds = array<i64: 2, 16>, scalar_prefetch = 0 : i64, scratch_operands = 7 : i64, tpu.core_type = #tpu.core_type<sc_vector_subcore>, window_params = [{transform_indices = #map}, {transform_indices = #map1}, {transform_indices = #map}]} {
    %mul3A = arith.constant 16 : i32
    %mul3A_0 = arith.muli %arg0, %mul3A : i32
    %add3A = arith.addi %mul3A_0, %arg1 : i32
    %scan3A = arith.constant 0 : i32
    %scan3A_1 = arith.constant 0 : i32
    %scan3A_2 = arith.constant 1024 : i32
    %scan3A_3 = arith.addi %scan3A_1, %scan3A_2 : i32
    %scan3A_4 = arith.constant 1 : i32
    %scan3A_5 = scf.for %scan3A_68 = %scan3A_1 to %scan3A_3 step %scan3A_4 iter_args(%scan3A_69 = %scan3A) -> (i32)  : i32 {
      %broadcast_in_dim3A = arith.constant 0.000000e+00 : f32
      %broadcast_in_dim3A_70 = vector.broadcast %broadcast_in_dim3A : f32 to vector<16xf32>
      %jit3A = arith.constant 8 : i32
      %div3A = arith.divsi %scan3A_68, %jit3A : i32
      %sign3A = arith.constant 0 : i32
      %sign3A_71 = arith.cmpi sgt, %scan3A_68, %sign3A : i32
      %sign3A_72 = arith.extui %sign3A_71 : i1 to i32
      %sign3A_73 = arith.constant 0 : i32
      %sign3A_74 = arith.cmpi slt, %scan3A_68, %sign3A_73 : i32
      %sign3A_75 = arith.extui %sign3A_74 : i1 to i32
      %sign3A_76 = arith.subi %sign3A_72, %sign3A_75 : i32
      %sign3A_77 = arith.constant 0 : i32
      %sign3A_78 = arith.cmpi sgt, %jit3A, %sign3A_77 : i32
      %sign3A_79 = arith.extui %sign3A_78 : i1 to i32
      %sign3A_80 = arith.constant 0 : i32
      %sign3A_81 = arith.cmpi slt, %jit3A, %sign3A_80 : i32
      %sign3A_82 = arith.extui %sign3A_81 : i1 to i32
      %sign3A_83 = arith.subi %sign3A_79, %sign3A_82 : i32
      %ne3A = arith.cmpi ne, %sign3A_76, %sign3A_83 : i32
      %rem3A = arith.remsi %scan3A_68, %jit3A : i32
      %ne3A_84 = arith.constant 0 : i32
      %ne3A_85 = arith.cmpi ne, %rem3A, %ne3A_84 : i32
      %and3A = arith.andi %ne3A, %ne3A_85 : i1
      %sub3A = arith.constant 1 : i32
      %sub3A_86 = arith.subi %div3A, %sub3A : i32
      %select_n3A = arith.select %and3A, %sub3A_86, %div3A : i32
      %jit3A_87 = arith.constant 8 : i32
      %eq3A = arith.constant 0 : i32
      %eq3A_88 = arith.cmpi eq, %jit3A_87, %eq3A : i32
      %jit3A_89 = arith.constant 1 : i32
      %select_n3A_90 = arith.select %eq3A_88, %jit3A_89, %jit3A_87 : i32
      %rem3A_91 = arith.remsi %scan3A_68, %select_n3A_90 : i32
      %ne3A_92 = arith.constant 0 : i32
      %ne3A_93 = arith.cmpi ne, %rem3A_91, %ne3A_92 : i32
      %lt3A = arith.constant 0 : i32
      %lt3A_94 = arith.cmpi slt, %rem3A_91, %lt3A : i32
      %lt3A_95 = arith.constant 0 : i32
      %lt3A_96 = arith.cmpi slt, %select_n3A_90, %lt3A_95 : i32
      %ne3A_97 = arith.xori %lt3A_94, %lt3A_96 : i1
      %and3A_98 = arith.andi %ne3A_97, %ne3A_93 : i1
      %add3A_99 = arith.addi %rem3A_91, %select_n3A_90 : i32
      %select_n3A_100 = arith.select %and3A_98, %add3A_99, %rem3A_91 : i32
      %mul3A_101 = arith.constant 16 : i32
      %mul3A_102 = arith.muli %select_n3A_100, %mul3A_101 : i32
      %swap3A = arith.index_cast %select_n3A : i32 to index
      %swap3A_103 = arith.index_cast %mul3A_102 : i32 to index
      %swap3A_104 = tpu.vector_load %arg7[%swap3A, %swap3A_103] {strides = array<i32>} : memref<128x128xf32, #tpu.memory_space<vmem>>, vector<1x16xf32>,
      %swap3A_105 = vector.shape_cast %swap3A_104 : vector<1x16xf32> to vector<16xf32>
      %swap3A_106 = vector.shape_cast %broadcast_in_dim3A_70 : vector<16xf32> to vector<1x16xf32>
      tpu.vector_store %arg7[%swap3A, %swap3A_103], %swap3A_106 {strides = array<i32>} : memref<128x128xf32, #tpu.memory_space<vmem>>, vector<1x16xf32>,
      %scan3A_107 = arith.constant 0 : i32
      scf.yield %scan3A_107 : i32
    }
    %scan3A_6 = arith.constant 1024 : i32
    %scan3A_7 = arith.constant 0 : i32
    %scan3A_8 = arith.constant 0 : i32
    %scan3A_9 = arith.constant 5 : i32
    %scan3A_10 = arith.addi %scan3A_8, %scan3A_9 : i32
    %scan3A_11 = arith.constant 1 : i32
    %scan3A_12 = scf.for %scan3A_68 = %scan3A_8 to %scan3A_10 step %scan3A_11 iter_args(%scan3A_69 = %scan3A_7) -> (i32)  : i32 {
      %mul3A_70 = arith.constant 640 : i32
      %mul3A_71 = arith.muli %arg1, %mul3A_70 : i32
      %mul3A_72 = arith.constant 128 : i32
      %mul3A_73 = arith.muli %scan3A_68, %mul3A_72 : i32
      %add3A_74 = arith.addi %mul3A_71, %mul3A_73 : i32
      "tpu.region"() ({
        %run_scoped3A_76 = tpu.sem_alloc : memref<!tpu.dma_semaphore, #tpu.memory_space<semaphore_mem>>
        %dma_start3A_77 = arith.constant 0 : i32
        %dma_start3A_78 = tpu.memref_slice %arg9[%add3A_74, %dma_start3A_77] : memref<10240x128xf32, #tpu.memory_space<vmem_shared>> -> memref<128x128xf32, #tpu.memory_space<vmem_shared>>
        %dma_start3A_79 = arith.constant 0 : i32
        %dma_start3A_80 = tpu.memref_slice %arg9[%add3A_74, %dma_start3A_79] : memref<10240x128xf32, #tpu.memory_space<vmem_shared>> -> memref<128x128xf32, #tpu.memory_space<vmem_shared>>
        tpu.enqueue_dma source(%arg7 : memref<128x128xf32, #tpu.memory_space<vmem>>) target(%dma_start3A_80 : memref<128x128xf32, #tpu.memory_space<vmem_shared>>) target_semaphore(%run_scoped3A_76 : memref<!tpu.dma_semaphore, #tpu.memory_space<semaphore_mem>>)
        %dma_wait3A_81 = arith.constant 0 : i32
        %dma_wait3A_82 = tpu.memref_slice %arg9[%add3A_74, %dma_wait3A_81] : memref<10240x128xf32, #tpu.memory_space<vmem_shared>> -> memref<128x128xf32, #tpu.memory_space<vmem_shared>>
        %dma_wait3A_83 = arith.constant 0 : i32
        %dma_wait3A_84 = tpu.memref_slice %arg9[%add3A_74, %dma_wait3A_83] : memref<10240x128xf32, #tpu.memory_space<vmem_shared>> -> memref<128x128xf32, #tpu.memory_space<vmem_shared>>
        tpu.wait_dma2 semaphore(%run_scoped3A_76 : memref<!tpu.dma_semaphore, #tpu.memory_space<semaphore_mem>>) src(%arg7 : memref<128x128xf32, #tpu.memory_space<vmem>>) dst(%dma_wait3A_84 : memref<128x128xf32, #tpu.memory_space<vmem_shared>>)
        tpu.yield
      }) : () -> ()
      %scan3A_75 = arith.constant 0 : i32
      scf.yield %scan3A_75 : i32
    }
    %scan3A_13 = arith.constant 5 : i32
    %barrier3A = arith.constant 0 : index
    tpu.barrier barrier_id(%barrier3A)
    %mul3A_14 = arith.constant 80 : i32
    %mul3A_15 = arith.muli %add3A, %mul3A_14 : i32
    %add3A_16 = arith.constant 0 : i32
    %add3A_17 = arith.addi %mul3A_15, %add3A_16 : i32
    %run_scoped3A = arith.constant 0 : i32
    "tpu.region"() ({
      %run_scoped3A_68 = tpu.sem_alloc : memref<!tpu.dma_semaphore, #tpu.memory_space<semaphore_mem>>
      %dma_start3A_69 = arith.constant 0 : i32
      %dma_start3A_70 = tpu.memref_slice %arg2[%run_scoped3A, %add3A_17, %dma_start3A_69] : memref<2x2560x128xi32, #tpu.memory_space<hbm>> -> memref<1x40x128xi32, #tpu.memory_space<hbm>>
      %dma_start3A_71 = tpu.memref_squeeze %dma_start3A_70 : memref<1x40x128xi32, #tpu.memory_space<hbm>> -> memref<40x128xi32, #tpu.memory_space<hbm>>
      %dma_start3A_72 = arith.constant 0 : i32
      %dma_start3A_73 = tpu.memref_slice %arg2[%run_scoped3A, %add3A_17, %dma_start3A_72] : memref<2x2560x128xi32, #tpu.memory_space<hbm>> -> memref<1x40x128xi32, #tpu.memory_space<hbm>>
      %dma_start3A_74 = tpu.memref_squeeze %dma_start3A_73 : memref<1x40x128xi32, #tpu.memory_space<hbm>> -> memref<40x128xi32, #tpu.memory_space<hbm>>
      tpu.enqueue_dma source(%dma_start3A_74 : memref<40x128xi32, #tpu.memory_space<hbm>>) target(%arg5 : memref<40x128xi32, #tpu.memory_space<vmem>>) target_semaphore(%run_scoped3A_68 : memref<!tpu.dma_semaphore, #tpu.memory_space<semaphore_mem>>)
      %dma_wait3A_75 = arith.constant 0 : i32
      %dma_wait3A_76 = tpu.memref_slice %arg2[%run_scoped3A, %add3A_17, %dma_wait3A_75] : memref<2x2560x128xi32, #tpu.memory_space<hbm>> -> memref<1x40x128xi32, #tpu.memory_space<hbm>>
      %dma_wait3A_77 = tpu.memref_squeeze %dma_wait3A_76 : memref<1x40x128xi32, #tpu.memory_space<hbm>> -> memref<40x128xi32, #tpu.memory_space<hbm>>
      %dma_wait3A_78 = arith.constant 0 : i32
      %dma_wait3A_79 = tpu.memref_slice %arg2[%run_scoped3A, %add3A_17, %dma_wait3A_78] : memref<2x2560x128xi32, #tpu.memory_space<hbm>> -> memref<1x40x128xi32, #tpu.memory_space<hbm>>
      %dma_wait3A_80 = tpu.memref_squeeze %dma_wait3A_79 : memref<1x40x128xi32, #tpu.memory_space<hbm>> -> memref<40x128xi32, #tpu.memory_space<hbm>>
      tpu.wait_dma2 semaphore(%run_scoped3A_68 : memref<!tpu.dma_semaphore, #tpu.memory_space<semaphore_mem>>) src(%dma_wait3A_80 : memref<40x128xi32, #tpu.memory_space<hbm>>) dst(%arg5 : memref<40x128xi32, #tpu.memory_space<vmem>>)
      tpu.yield
    }) : () -> ()
    %run_scoped3A_18 = arith.constant 1 : i32
    "tpu.region"() ({
      %run_scoped3A_68 = tpu.sem_alloc : memref<!tpu.dma_semaphore, #tpu.memory_space<semaphore_mem>>
      %dma_start3A_69 = arith.constant 0 : i32
      %dma_start3A_70 = tpu.memref_slice %arg2[%run_scoped3A_18, %add3A_17, %dma_start3A_69] : memref<2x2560x128xi32, #tpu.memory_space<hbm>> -> memref<1x40x128xi32, #tpu.memory_space<hbm>>
      %dma_start3A_71 = tpu.memref_squeeze %dma_start3A_70 : memref<1x40x128xi32, #tpu.memory_space<hbm>> -> memref<40x128xi32, #tpu.memory_space<hbm>>
      %dma_start3A_72 = arith.constant 0 : i32
      %dma_start3A_73 = tpu.memref_slice %arg2[%run_scoped3A_18, %add3A_17, %dma_start3A_72] : memref<2x2560x128xi32, #tpu.memory_space<hbm>> -> memref<1x40x128xi32, #tpu.memory_space<hbm>>
      %dma_start3A_74 = tpu.memref_squeeze %dma_start3A_73 : memref<1x40x128xi32, #tpu.memory_space<hbm>> -> memref<40x128xi32, #tpu.memory_space<hbm>>
      tpu.enqueue_dma source(%dma_start3A_74 : memref<40x128xi32, #tpu.memory_space<hbm>>) target(%arg6 : memref<40x128xi32, #tpu.memory_space<vmem>>) target_semaphore(%run_scoped3A_68 : memref<!tpu.dma_semaphore, #tpu.memory_space<semaphore_mem>>)
      %dma_wait3A_75 = arith.constant 0 : i32
      %dma_wait3A_76 = tpu.memref_slice %arg2[%run_scoped3A_18, %add3A_17, %dma_wait3A_75] : memref<2x2560x128xi32, #tpu.memory_space<hbm>> -> memref<1x40x128xi32, #tpu.memory_space<hbm>>
      %dma_wait3A_77 = tpu.memref_squeeze %dma_wait3A_76 : memref<1x40x128xi32, #tpu.memory_space<hbm>> -> memref<40x128xi32, #tpu.memory_space<hbm>>
      %dma_wait3A_78 = arith.constant 0 : i32
      %dma_wait3A_79 = tpu.memref_slice %arg2[%run_scoped3A_18, %add3A_17, %dma_wait3A_78] : memref<2x2560x128xi32, #tpu.memory_space<hbm>> -> memref<1x40x128xi32, #tpu.memory_space<hbm>>
      %dma_wait3A_80 = tpu.memref_squeeze %dma_wait3A_79 : memref<1x40x128xi32, #tpu.memory_space<hbm>> -> memref<40x128xi32, #tpu.memory_space<hbm>>
      tpu.wait_dma2 semaphore(%run_scoped3A_68 : memref<!tpu.dma_semaphore, #tpu.memory_space<semaphore_mem>>) src(%dma_wait3A_80 : memref<40x128xi32, #tpu.memory_space<hbm>>) dst(%arg6 : memref<40x128xi32, #tpu.memory_space<vmem>>)
      tpu.yield
    }) : () -> ()
    %dma_start3A = arith.constant 0 : i32
    %dma_start3A_19 = arith.constant 0 : i32
    %dma_start3A_20 = tpu.memref_slice %arg5[%dma_start3A, %dma_start3A_19] : memref<40x128xi32, #tpu.memory_space<vmem>> -> memref<1x128xi32, #tpu.memory_space<vmem>>
    %dma_start3A_21 = tpu.memref_squeeze %dma_start3A_20 : memref<1x128xi32, #tpu.memory_space<vmem>> -> memref<128xi32, #tpu.memory_space<vmem>>
    %dma_start3A_22 = arith.constant 0 : i32
    %dma_start3A_23 = arith.constant 0 : i32
    %dma_start3A_24 = tpu.memref_slice %arg3[%dma_start3A_22, %dma_start3A_23] : memref<10240x128xf32, #tpu.memory_space<hbm>> -> memref<10240x128xf32, #tpu.memory_space<hbm>>
    tpu.enqueue_indirect_dma source(%dma_start3A_24 : memref<10240x128xf32, #tpu.memory_space<hbm>>) target(%arg7 : memref<128x128xf32, #tpu.memory_space<vmem>>) offsets(%dma_start3A_21 : memref<128xi32, #tpu.memory_space<vmem>>) semaphore(%arg10 : memref<!tpu.dma_semaphore, #tpu.memory_space<semaphore_mem>>)
    %scan3A_25 = arith.constant 0 : i32
    %scan3A_26 = arith.constant 0 : i32
    %scan3A_27 = arith.constant 20 : i32
    %scan3A_28 = arith.addi %scan3A_26, %scan3A_27 : i32
    %scan3A_29 = arith.constant 1 : i32
    %scan3A_30 = scf.for %scan3A_68 = %scan3A_26 to %scan3A_28 step %scan3A_29 iter_args(%scan3A_69 = %scan3A_25) -> (i32)  : i32 {
      %mul3A_70 = arith.constant 2 : i32
      %mul3A_71 = arith.muli %scan3A_68, %mul3A_70 : i32
      %add3A_72 = arith.constant 1 : i32
      %add3A_73 = arith.addi %mul3A_71, %add3A_72 : i32
      %dma_wait3A_74 = arith.constant 0 : i32
      %dma_wait3A_75 = tpu.memref_slice %arg5[%mul3A_71, %dma_wait3A_74] : memref<40x128xi32, #tpu.memory_space<vmem>> -> memref<1x128xi32, #tpu.memory_space<vmem>>
      %dma_wait3A_76 = tpu.memref_squeeze %dma_wait3A_75 : memref<1x128xi32, #tpu.memory_space<vmem>> -> memref<128xi32, #tpu.memory_space<vmem>>
      %dma_wait3A_77 = arith.constant 0 : i32
      %dma_wait3A_78 = arith.constant 0 : i32
      %dma_wait3A_79 = tpu.memref_slice %arg3[%dma_wait3A_77, %dma_wait3A_78] : memref<10240x128xf32, #tpu.memory_space<hbm>> -> memref<10240x128xf32, #tpu.memory_space<hbm>>
      tpu.wait_indirect_dma semaphore(%arg10 : memref<!tpu.dma_semaphore, #tpu.memory_space<semaphore_mem>>) src(%dma_wait3A_79 : memref<10240x128xf32, #tpu.memory_space<hbm>>) dst(%arg7 : memref<128x128xf32, #tpu.memory_space<vmem>>)
      %dma_start3A_80 = arith.constant 0 : i32
      %dma_start3A_81 = tpu.memref_slice %arg6[%mul3A_71, %dma_start3A_80] : memref<40x128xi32, #tpu.memory_space<vmem>> -> memref<1x128xi32, #tpu.memory_space<vmem>>
      %dma_start3A_82 = tpu.memref_squeeze %dma_start3A_81 : memref<1x128xi32, #tpu.memory_space<vmem>> -> memref<128xi32, #tpu.memory_space<vmem>>
      %dma_start3A_83 = arith.constant 0 : i32
      %dma_start3A_84 = arith.constant 0 : i32
      %dma_start3A_85 = tpu.memref_slice %arg9[%dma_start3A_83, %dma_start3A_84] : memref<10240x128xf32, #tpu.memory_space<vmem_shared>> -> memref<10240x128xf32, #tpu.memory_space<vmem_shared>>
      tpu.enqueue_indirect_dma source(%arg7 : memref<128x128xf32, #tpu.memory_space<vmem>>) target(%dma_start3A_85 : memref<10240x128xf32, #tpu.memory_space<vmem_shared>>) offsets(%dma_start3A_82 : memref<128xi32, #tpu.memory_space<vmem>>) semaphore(%arg11 : memref<!tpu.dma_semaphore, #tpu.memory_space<semaphore_mem>>) {add = true}
      %ge3A = arith.constant 1 : i32
      %ge3A_86 = arith.cmpi sge, %scan3A_68, %ge3A : i32
      %convert_element_type3A = arith.extui %ge3A_86 : i1 to i32
      %cond3A = arith.constant 0 : i32
      %cond3A_87 = arith.cmpi ne, %convert_element_type3A, %cond3A : i32
      scf.if %cond3A_87 {
        %sub3A = arith.constant 1 : i32
        %sub3A_119 = arith.subi %mul3A_71, %sub3A : i32
        %dma_wait3A_120 = arith.constant 0 : i32
        %dma_wait3A_121 = tpu.memref_slice %arg6[%sub3A_119, %dma_wait3A_120] : memref<40x128xi32, #tpu.memory_space<vmem>> -> memref<1x128xi32, #tpu.memory_space<vmem>>
        %dma_wait3A_122 = tpu.memref_squeeze %dma_wait3A_121 : memref<1x128xi32, #tpu.memory_space<vmem>> -> memref<128xi32, #tpu.memory_space<vmem>>
        %dma_wait3A_123 = arith.constant 0 : i32
        %dma_wait3A_124 = arith.constant 0 : i32
        %dma_wait3A_125 = tpu.memref_slice %arg9[%dma_wait3A_123, %dma_wait3A_124] : memref<10240x128xf32, #tpu.memory_space<vmem_shared>> -> memref<10240x128xf32, #tpu.memory_space<vmem_shared>>
        tpu.wait_indirect_dma semaphore(%arg11 : memref<!tpu.dma_semaphore, #tpu.memory_space<semaphore_mem>>) src(%arg8 : memref<128x128xf32, #tpu.memory_space<vmem>>) dst(%dma_wait3A_125 : memref<10240x128xf32, #tpu.memory_space<vmem_shared>>)
      } else {
      }
      %dma_start3A_88 = arith.constant 0 : i32
      %dma_start3A_89 = tpu.memref_slice %arg5[%add3A_73, %dma_start3A_88] : memref<40x128xi32, #tpu.memory_space<vmem>> -> memref<1x128xi32, #tpu.memory_space<vmem>>
      %dma_start3A_90 = tpu.memref_squeeze %dma_start3A_89 : memref<1x128xi32, #tpu.memory_space<vmem>> -> memref<128xi32, #tpu.memory_space<vmem>>
      %dma_start3A_91 = arith.constant 0 : i32
      %dma_start3A_92 = arith.constant 0 : i32
      %dma_start3A_93 = tpu.memref_slice %arg3[%dma_start3A_91, %dma_start3A_92] : memref<10240x128xf32, #tpu.memory_space<hbm>> -> memref<10240x128xf32, #tpu.memory_space<hbm>>
      tpu.enqueue_indirect_dma source(%dma_start3A_93 : memref<10240x128xf32, #tpu.memory_space<hbm>>) target(%arg8 : memref<128x128xf32, #tpu.memory_space<vmem>>) offsets(%dma_start3A_90 : memref<128xi32, #tpu.memory_space<vmem>>) semaphore(%arg10 : memref<!tpu.dma_semaphore, #tpu.memory_space<semaphore_mem>>)
      %dma_wait3A_94 = arith.constant 0 : i32
      %dma_wait3A_95 = tpu.memref_slice %arg5[%add3A_73, %dma_wait3A_94] : memref<40x128xi32, #tpu.memory_space<vmem>> -> memref<1x128xi32, #tpu.memory_space<vmem>>
      %dma_wait3A_96 = tpu.memref_squeeze %dma_wait3A_95 : memref<1x128xi32, #tpu.memory_space<vmem>> -> memref<128xi32, #tpu.memory_space<vmem>>
      %dma_wait3A_97 = arith.constant 0 : i32
      %dma_wait3A_98 = arith.constant 0 : i32
      %dma_wait3A_99 = tpu.memref_slice %arg3[%dma_wait3A_97, %dma_wait3A_98] : memref<10240x128xf32, #tpu.memory_space<hbm>> -> memref<10240x128xf32, #tpu.memory_space<hbm>>
      tpu.wait_indirect_dma semaphore(%arg10 : memref<!tpu.dma_semaphore, #tpu.memory_space<semaphore_mem>>) src(%dma_wait3A_99 : memref<10240x128xf32, #tpu.memory_space<hbm>>) dst(%arg8 : memref<128x128xf32, #tpu.memory_space<vmem>>)
      %dma_start3A_100 = arith.constant 0 : i32
      %dma_start3A_101 = tpu.memref_slice %arg6[%add3A_73, %dma_start3A_100] : memref<40x128xi32, #tpu.memory_space<vmem>> -> memref<1x128xi32, #tpu.memory_space<vmem>>
      %dma_start3A_102 = tpu.memref_squeeze %dma_start3A_101 : memref<1x128xi32, #tpu.memory_space<vmem>> -> memref<128xi32, #tpu.memory_space<vmem>>
      %dma_start3A_103 = arith.constant 0 : i32
      %dma_start3A_104 = arith.constant 0 : i32
      %dma_start3A_105 = tpu.memref_slice %arg9[%dma_start3A_103, %dma_start3A_104] : memref<10240x128xf32, #tpu.memory_space<vmem_shared>> -> memref<10240x128xf32, #tpu.memory_space<vmem_shared>>
      tpu.enqueue_indirect_dma source(%arg8 : memref<128x128xf32, #tpu.memory_space<vmem>>) target(%dma_start3A_105 : memref<10240x128xf32, #tpu.memory_space<vmem_shared>>) offsets(%dma_start3A_102 : memref<128xi32, #tpu.memory_space<vmem>>) semaphore(%arg11 : memref<!tpu.dma_semaphore, #tpu.memory_space<semaphore_mem>>) {add = true}
      %dma_wait3A_106 = arith.constant 0 : i32
      %dma_wait3A_107 = tpu.memref_slice %arg6[%mul3A_71, %dma_wait3A_106] : memref<40x128xi32, #tpu.memory_space<vmem>> -> memref<1x128xi32, #tpu.memory_space<vmem>>
      %dma_wait3A_108 = tpu.memref_squeeze %dma_wait3A_107 : memref<1x128xi32, #tpu.memory_space<vmem>> -> memref<128xi32, #tpu.memory_space<vmem>>
      %dma_wait3A_109 = arith.constant 0 : i32
      %dma_wait3A_110 = arith.constant 0 : i32
      %dma_wait3A_111 = tpu.memref_slice %arg9[%dma_wait3A_109, %dma_wait3A_110] : memref<10240x128xf32, #tpu.memory_space<vmem_shared>> -> memref<10240x128xf32, #tpu.memory_space<vmem_shared>>
      tpu.wait_indirect_dma semaphore(%arg11 : memref<!tpu.dma_semaphore, #tpu.memory_space<semaphore_mem>>) src(%arg7 : memref<128x128xf32, #tpu.memory_space<vmem>>) dst(%dma_wait3A_111 : memref<10240x128xf32, #tpu.memory_space<vmem_shared>>)
      %add3A_112 = arith.constant 1 : i32
      %add3A_113 = arith.addi %add3A_73, %add3A_112 : i32
      %lt3A = arith.constant 40 : i32
      %lt3A_114 = arith.cmpi slt, %add3A_113, %lt3A : i32
      %convert_element_type3A_115 = arith.extui %lt3A_114 : i1 to i32
      %cond3A_116 = arith.constant 0 : i32
      %cond3A_117 = arith.cmpi ne, %convert_element_type3A_115, %cond3A_116 : i32
      scf.if %cond3A_117 {
        %add3A_119 = arith.constant 1 : i32
        %add3A_120 = arith.addi %add3A_73, %add3A_119 : i32
        %dma_start3A_121 = arith.constant 0 : i32
        %dma_start3A_122 = tpu.memref_slice %arg5[%add3A_120, %dma_start3A_121] : memref<40x128xi32, #tpu.memory_space<vmem>> -> memref<1x128xi32, #tpu.memory_space<vmem>>
        %dma_start3A_123 = tpu.memref_squeeze %dma_start3A_122 : memref<1x128xi32, #tpu.memory_space<vmem>> -> memref<128xi32, #tpu.memory_space<vmem>>
        %dma_start3A_124 = arith.constant 0 : i32
        %dma_start3A_125 = arith.constant 0 : i32
        %dma_start3A_126 = tpu.memref_slice %arg3[%dma_start3A_124, %dma_start3A_125] : memref<10240x128xf32, #tpu.memory_space<hbm>> -> memref<10240x128xf32, #tpu.memory_space<hbm>>
        tpu.enqueue_indirect_dma source(%dma_start3A_126 : memref<10240x128xf32, #tpu.memory_space<hbm>>) target(%arg7 : memref<128x128xf32, #tpu.memory_space<vmem>>) offsets(%dma_start3A_123 : memref<128xi32, #tpu.memory_space<vmem>>) semaphore(%arg10 : memref<!tpu.dma_semaphore, #tpu.memory_space<semaphore_mem>>)
      } else {
      }
      %scan3A_118 = arith.constant 0 : i32
      scf.yield %scan3A_118 : i32
    }
    %scan3A_31 = arith.constant 20 : i32
    %dma_wait3A = arith.constant 39 : i32
    %dma_wait3A_32 = arith.constant 0 : i32
    %dma_wait3A_33 = tpu.memref_slice %arg6[%dma_wait3A, %dma_wait3A_32] : memref<40x128xi32, #tpu.memory_space<vmem>> -> memref<1x128xi32, #tpu.memory_space<vmem>>
    %dma_wait3A_34 = tpu.memref_squeeze %dma_wait3A_33 : memref<1x128xi32, #tpu.memory_space<vmem>> -> memref<128xi32, #tpu.memory_space<vmem>>
    %dma_wait3A_35 = arith.constant 0 : i32
    %dma_wait3A_36 = arith.constant 0 : i32
    %dma_wait3A_37 = tpu.memref_slice %arg9[%dma_wait3A_35, %dma_wait3A_36] : memref<10240x128xf32, #tpu.memory_space<vmem_shared>> -> memref<10240x128xf32, #tpu.memory_space<vmem_shared>>
    tpu.wait_indirect_dma semaphore(%arg11 : memref<!tpu.dma_semaphore, #tpu.memory_space<semaphore_mem>>) src(%arg8 : memref<128x128xf32, #tpu.memory_space<vmem>>) dst(%dma_wait3A_37 : memref<10240x128xf32, #tpu.memory_space<vmem_shared>>)
    %mul3A_38 = arith.constant 80 : i32
    %mul3A_39 = arith.muli %add3A, %mul3A_38 : i32
    %add3A_40 = arith.constant 40 : i32
    %add3A_41 = arith.addi %mul3A_39, %add3A_40 : i32
    %run_scoped3A_42 = arith.constant 0 : i32
    "tpu.region"() ({
      %run_scoped3A_68 = tpu.sem_alloc : memref<!tpu.dma_semaphore, #tpu.memory_space<semaphore_mem>>
      %dma_start3A_69 = arith.constant 0 : i32
      %dma_start3A_70 = tpu.memref_slice %arg2[%run_scoped3A_42, %add3A_41, %dma_start3A_69] : memref<2x2560x128xi32, #tpu.memory_space<hbm>> -> memref<1x40x128xi32, #tpu.memory_space<hbm>>
      %dma_start3A_71 = tpu.memref_squeeze %dma_start3A_70 : memref<1x40x128xi32, #tpu.memory_space<hbm>> -> memref<40x128xi32, #tpu.memory_space<hbm>>
      %dma_start3A_72 = arith.constant 0 : i32
      %dma_start3A_73 = tpu.memref_slice %arg2[%run_scoped3A_42, %add3A_41, %dma_start3A_72] : memref<2x2560x128xi32, #tpu.memory_space<hbm>> -> memref<1x40x128xi32, #tpu.memory_space<hbm>>
      %dma_start3A_74 = tpu.memref_squeeze %dma_start3A_73 : memref<1x40x128xi32, #tpu.memory_space<hbm>> -> memref<40x128xi32, #tpu.memory_space<hbm>>
      tpu.enqueue_dma source(%dma_start3A_74 : memref<40x128xi32, #tpu.memory_space<hbm>>) target(%arg5 : memref<40x128xi32, #tpu.memory_space<vmem>>) target_semaphore(%run_scoped3A_68 : memref<!tpu.dma_semaphore, #tpu.memory_space<semaphore_mem>>)
      %dma_wait3A_75 = arith.constant 0 : i32
      %dma_wait3A_76 = tpu.memref_slice %arg2[%run_scoped3A_42, %add3A_41, %dma_wait3A_75] : memref<2x2560x128xi32, #tpu.memory_space<hbm>> -> memref<1x40x128xi32, #tpu.memory_space<hbm>>
      %dma_wait3A_77 = tpu.memref_squeeze %dma_wait3A_76 : memref<1x40x128xi32, #tpu.memory_space<hbm>> -> memref<40x128xi32, #tpu.memory_space<hbm>>
      %dma_wait3A_78 = arith.constant 0 : i32
      %dma_wait3A_79 = tpu.memref_slice %arg2[%run_scoped3A_42, %add3A_41, %dma_wait3A_78] : memref<2x2560x128xi32, #tpu.memory_space<hbm>> -> memref<1x40x128xi32, #tpu.memory_space<hbm>>
      %dma_wait3A_80 = tpu.memref_squeeze %dma_wait3A_79 : memref<1x40x128xi32, #tpu.memory_space<hbm>> -> memref<40x128xi32, #tpu.memory_space<hbm>>
      tpu.wait_dma2 semaphore(%run_scoped3A_68 : memref<!tpu.dma_semaphore, #tpu.memory_space<semaphore_mem>>) src(%dma_wait3A_80 : memref<40x128xi32, #tpu.memory_space<hbm>>) dst(%arg5 : memref<40x128xi32, #tpu.memory_space<vmem>>)
      tpu.yield
    }) : () -> ()
    %run_scoped3A_43 = arith.constant 1 : i32
    "tpu.region"() ({
      %run_scoped3A_68 = tpu.sem_alloc : memref<!tpu.dma_semaphore, #tpu.memory_space<semaphore_mem>>
      %dma_start3A_69 = arith.constant 0 : i32
      %dma_start3A_70 = tpu.memref_slice %arg2[%run_scoped3A_43, %add3A_41, %dma_start3A_69] : memref<2x2560x128xi32, #tpu.memory_space<hbm>> -> memref<1x40x128xi32, #tpu.memory_space<hbm>>
      %dma_start3A_71 = tpu.memref_squeeze %dma_start3A_70 : memref<1x40x128xi32, #tpu.memory_space<hbm>> -> memref<40x128xi32, #tpu.memory_space<hbm>>
      %dma_start3A_72 = arith.constant 0 : i32
      %dma_start3A_73 = tpu.memref_slice %arg2[%run_scoped3A_43, %add3A_41, %dma_start3A_72] : memref<2x2560x128xi32, #tpu.memory_space<hbm>> -> memref<1x40x128xi32, #tpu.memory_space<hbm>>
      %dma_start3A_74 = tpu.memref_squeeze %dma_start3A_73 : memref<1x40x128xi32, #tpu.memory_space<hbm>> -> memref<40x128xi32, #tpu.memory_space<hbm>>
      tpu.enqueue_dma source(%dma_start3A_74 : memref<40x128xi32, #tpu.memory_space<hbm>>) target(%arg6 : memref<40x128xi32, #tpu.memory_space<vmem>>) target_semaphore(%run_scoped3A_68 : memref<!tpu.dma_semaphore, #tpu.memory_space<semaphore_mem>>)
      %dma_wait3A_75 = arith.constant 0 : i32
      %dma_wait3A_76 = tpu.memref_slice %arg2[%run_scoped3A_43, %add3A_41, %dma_wait3A_75] : memref<2x2560x128xi32, #tpu.memory_space<hbm>> -> memref<1x40x128xi32, #tpu.memory_space<hbm>>
      %dma_wait3A_77 = tpu.memref_squeeze %dma_wait3A_76 : memref<1x40x128xi32, #tpu.memory_space<hbm>> -> memref<40x128xi32, #tpu.memory_space<hbm>>
      %dma_wait3A_78 = arith.constant 0 : i32
      %dma_wait3A_79 = tpu.memref_slice %arg2[%run_scoped3A_43, %add3A_41, %dma_wait3A_78] : memref<2x2560x128xi32, #tpu.memory_space<hbm>> -> memref<1x40x128xi32, #tpu.memory_space<hbm>>
      %dma_wait3A_80 = tpu.memref_squeeze %dma_wait3A_79 : memref<1x40x128xi32, #tpu.memory_space<hbm>> -> memref<40x128xi32, #tpu.memory_space<hbm>>
      tpu.wait_dma2 semaphore(%run_scoped3A_68 : memref<!tpu.dma_semaphore, #tpu.memory_space<semaphore_mem>>) src(%dma_wait3A_80 : memref<40x128xi32, #tpu.memory_space<hbm>>) dst(%arg6 : memref<40x128xi32, #tpu.memory_space<vmem>>)
      tpu.yield
    }) : () -> ()
    %dma_start3A_44 = arith.constant 0 : i32
    %dma_start3A_45 = arith.constant 0 : i32
    %dma_start3A_46 = tpu.memref_slice %arg5[%dma_start3A_44, %dma_start3A_45] : memref<40x128xi32, #tpu.memory_space<vmem>> -> memref<1x128xi32, #tpu.memory_space<vmem>>
    %dma_start3A_47 = tpu.memref_squeeze %dma_start3A_46 : memref<1x128xi32, #tpu.memory_space<vmem>> -> memref<128xi32, #tpu.memory_space<vmem>>
    %dma_start3A_48 = arith.constant 0 : i32
    %dma_start3A_49 = arith.constant 0 : i32
    %dma_start3A_50 = tpu.memref_slice %arg3[%dma_start3A_48, %dma_start3A_49] : memref<10240x128xf32, #tpu.memory_space<hbm>> -> memref<10240x128xf32, #tpu.memory_space<hbm>>
    tpu.enqueue_indirect_dma source(%dma_start3A_50 : memref<10240x128xf32, #tpu.memory_space<hbm>>) target(%arg7 : memref<128x128xf32, #tpu.memory_space<vmem>>) offsets(%dma_start3A_47 : memref<128xi32, #tpu.memory_space<vmem>>) semaphore(%arg10 : memref<!tpu.dma_semaphore, #tpu.memory_space<semaphore_mem>>)
    %scan3A_51 = arith.constant 0 : i32
    %scan3A_52 = arith.constant 0 : i32
    %scan3A_53 = arith.constant 20 : i32
    %scan3A_54 = arith.addi %scan3A_52, %scan3A_53 : i32
    %scan3A_55 = arith.constant 1 : i32
    %scan3A_56 = scf.for %scan3A_68 = %scan3A_52 to %scan3A_54 step %scan3A_55 iter_args(%scan3A_69 = %scan3A_51) -> (i32)  : i32 {
      %mul3A_70 = arith.constant 2 : i32
      %mul3A_71 = arith.muli %scan3A_68, %mul3A_70 : i32
      %add3A_72 = arith.constant 1 : i32
      %add3A_73 = arith.addi %mul3A_71, %add3A_72 : i32
      %dma_wait3A_74 = arith.constant 0 : i32
      %dma_wait3A_75 = tpu.memref_slice %arg5[%mul3A_71, %dma_wait3A_74] : memref<40x128xi32, #tpu.memory_space<vmem>> -> memref<1x128xi32, #tpu.memory_space<vmem>>
      %dma_wait3A_76 = tpu.memref_squeeze %dma_wait3A_75 : memref<1x128xi32, #tpu.memory_space<vmem>> -> memref<128xi32, #tpu.memory_space<vmem>>
      %dma_wait3A_77 = arith.constant 0 : i32
      %dma_wait3A_78 = arith.constant 0 : i32
      %dma_wait3A_79 = tpu.memref_slice %arg3[%dma_wait3A_77, %dma_wait3A_78] : memref<10240x128xf32, #tpu.memory_space<hbm>> -> memref<10240x128xf32, #tpu.memory_space<hbm>>
      tpu.wait_indirect_dma semaphore(%arg10 : memref<!tpu.dma_semaphore, #tpu.memory_space<semaphore_mem>>) src(%dma_wait3A_79 : memref<10240x128xf32, #tpu.memory_space<hbm>>) dst(%arg7 : memref<128x128xf32, #tpu.memory_space<vmem>>)
      %dma_start3A_80 = arith.constant 0 : i32
      %dma_start3A_81 = tpu.memref_slice %arg6[%mul3A_71, %dma_start3A_80] : memref<40x128xi32, #tpu.memory_space<vmem>> -> memref<1x128xi32, #tpu.memory_space<vmem>>
      %dma_start3A_82 = tpu.memref_squeeze %dma_start3A_81 : memref<1x128xi32, #tpu.memory_space<vmem>> -> memref<128xi32, #tpu.memory_space<vmem>>
      %dma_start3A_83 = arith.constant 0 : i32
      %dma_start3A_84 = arith.constant 0 : i32
      %dma_start3A_85 = tpu.memref_slice %arg9[%dma_start3A_83, %dma_start3A_84] : memref<10240x128xf32, #tpu.memory_space<vmem_shared>> -> memref<10240x128xf32, #tpu.memory_space<vmem_shared>>
      tpu.enqueue_indirect_dma source(%arg7 : memref<128x128xf32, #tpu.memory_space<vmem>>) target(%dma_start3A_85 : memref<10240x128xf32, #tpu.memory_space<vmem_shared>>) offsets(%dma_start3A_82 : memref<128xi32, #tpu.memory_space<vmem>>) semaphore(%arg11 : memref<!tpu.dma_semaphore, #tpu.memory_space<semaphore_mem>>) {add = true}
      %ge3A = arith.constant 1 : i32
      %ge3A_86 = arith.cmpi sge, %scan3A_68, %ge3A : i32
      %convert_element_type3A = arith.extui %ge3A_86 : i1 to i32
      %cond3A = arith.constant 0 : i32
      %cond3A_87 = arith.cmpi ne, %convert_element_type3A, %cond3A : i32
      scf.if %cond3A_87 {
        %sub3A = arith.constant 1 : i32
        %sub3A_119 = arith.subi %mul3A_71, %sub3A : i32
        %dma_wait3A_120 = arith.constant 0 : i32
        %dma_wait3A_121 = tpu.memref_slice %arg6[%sub3A_119, %dma_wait3A_120] : memref<40x128xi32, #tpu.memory_space<vmem>> -> memref<1x128xi32, #tpu.memory_space<vmem>>
        %dma_wait3A_122 = tpu.memref_squeeze %dma_wait3A_121 : memref<1x128xi32, #tpu.memory_space<vmem>> -> memref<128xi32, #tpu.memory_space<vmem>>
        %dma_wait3A_123 = arith.constant 0 : i32
        %dma_wait3A_124 = arith.constant 0 : i32
        %dma_wait3A_125 = tpu.memref_slice %arg9[%dma_wait3A_123, %dma_wait3A_124] : memref<10240x128xf32, #tpu.memory_space<vmem_shared>> -> memref<10240x128xf32, #tpu.memory_space<vmem_shared>>
        tpu.wait_indirect_dma semaphore(%arg11 : memref<!tpu.dma_semaphore, #tpu.memory_space<semaphore_mem>>) src(%arg8 : memref<128x128xf32, #tpu.memory_space<vmem>>) dst(%dma_wait3A_125 : memref<10240x128xf32, #tpu.memory_space<vmem_shared>>)
      } else {
      }
      %dma_start3A_88 = arith.constant 0 : i32
      %dma_start3A_89 = tpu.memref_slice %arg5[%add3A_73, %dma_start3A_88] : memref<40x128xi32, #tpu.memory_space<vmem>> -> memref<1x128xi32, #tpu.memory_space<vmem>>
      %dma_start3A_90 = tpu.memref_squeeze %dma_start3A_89 : memref<1x128xi32, #tpu.memory_space<vmem>> -> memref<128xi32, #tpu.memory_space<vmem>>
      %dma_start3A_91 = arith.constant 0 : i32
      %dma_start3A_92 = arith.constant 0 : i32
      %dma_start3A_93 = tpu.memref_slice %arg3[%dma_start3A_91, %dma_start3A_92] : memref<10240x128xf32, #tpu.memory_space<hbm>> -> memref<10240x128xf32, #tpu.memory_space<hbm>>
      tpu.enqueue_indirect_dma source(%dma_start3A_93 : memref<10240x128xf32, #tpu.memory_space<hbm>>) target(%arg8 : memref<128x128xf32, #tpu.memory_space<vmem>>) offsets(%dma_start3A_90 : memref<128xi32, #tpu.memory_space<vmem>>) semaphore(%arg10 : memref<!tpu.dma_semaphore, #tpu.memory_space<semaphore_mem>>)
      %dma_wait3A_94 = arith.constant 0 : i32
      %dma_wait3A_95 = tpu.memref_slice %arg5[%add3A_73, %dma_wait3A_94] : memref<40x128xi32, #tpu.memory_space<vmem>> -> memref<1x128xi32, #tpu.memory_space<vmem>>
      %dma_wait3A_96 = tpu.memref_squeeze %dma_wait3A_95 : memref<1x128xi32, #tpu.memory_space<vmem>> -> memref<128xi32, #tpu.memory_space<vmem>>
      %dma_wait3A_97 = arith.constant 0 : i32
      %dma_wait3A_98 = arith.constant 0 : i32
      %dma_wait3A_99 = tpu.memref_slice %arg3[%dma_wait3A_97, %dma_wait3A_98] : memref<10240x128xf32, #tpu.memory_space<hbm>> -> memref<10240x128xf32, #tpu.memory_space<hbm>>
      tpu.wait_indirect_dma semaphore(%arg10 : memref<!tpu.dma_semaphore, #tpu.memory_space<semaphore_mem>>) src(%dma_wait3A_99 : memref<10240x128xf32, #tpu.memory_space<hbm>>) dst(%arg8 : memref<128x128xf32, #tpu.memory_space<vmem>>)
      %dma_start3A_100 = arith.constant 0 : i32
      %dma_start3A_101 = tpu.memref_slice %arg6[%add3A_73, %dma_start3A_100] : memref<40x128xi32, #tpu.memory_space<vmem>> -> memref<1x128xi32, #tpu.memory_space<vmem>>
      %dma_start3A_102 = tpu.memref_squeeze %dma_start3A_101 : memref<1x128xi32, #tpu.memory_space<vmem>> -> memref<128xi32, #tpu.memory_space<vmem>>
      %dma_start3A_103 = arith.constant 0 : i32
      %dma_start3A_104 = arith.constant 0 : i32
      %dma_start3A_105 = tpu.memref_slice %arg9[%dma_start3A_103, %dma_start3A_104] : memref<10240x128xf32, #tpu.memory_space<vmem_shared>> -> memref<10240x128xf32, #tpu.memory_space<vmem_shared>>
      tpu.enqueue_indirect_dma source(%arg8 : memref<128x128xf32, #tpu.memory_space<vmem>>) target(%dma_start3A_105 : memref<10240x128xf32, #tpu.memory_space<vmem_shared>>) offsets(%dma_start3A_102 : memref<128xi32, #tpu.memory_space<vmem>>) semaphore(%arg11 : memref<!tpu.dma_semaphore, #tpu.memory_space<semaphore_mem>>) {add = true}
      %dma_wait3A_106 = arith.constant 0 : i32
      %dma_wait3A_107 = tpu.memref_slice %arg6[%mul3A_71, %dma_wait3A_106] : memref<40x128xi32, #tpu.memory_space<vmem>> -> memref<1x128xi32, #tpu.memory_space<vmem>>
      %dma_wait3A_108 = tpu.memref_squeeze %dma_wait3A_107 : memref<1x128xi32, #tpu.memory_space<vmem>> -> memref<128xi32, #tpu.memory_space<vmem>>
      %dma_wait3A_109 = arith.constant 0 : i32
      %dma_wait3A_110 = arith.constant 0 : i32
      %dma_wait3A_111 = tpu.memref_slice %arg9[%dma_wait3A_109, %dma_wait3A_110] : memref<10240x128xf32, #tpu.memory_space<vmem_shared>> -> memref<10240x128xf32, #tpu.memory_space<vmem_shared>>
      tpu.wait_indirect_dma semaphore(%arg11 : memref<!tpu.dma_semaphore, #tpu.memory_space<semaphore_mem>>) src(%arg7 : memref<128x128xf32, #tpu.memory_space<vmem>>) dst(%dma_wait3A_111 : memref<10240x128xf32, #tpu.memory_space<vmem_shared>>)
      %add3A_112 = arith.constant 1 : i32
      %add3A_113 = arith.addi %add3A_73, %add3A_112 : i32
      %lt3A = arith.constant 40 : i32
      %lt3A_114 = arith.cmpi slt, %add3A_113, %lt3A : i32
      %convert_element_type3A_115 = arith.extui %lt3A_114 : i1 to i32
      %cond3A_116 = arith.constant 0 : i32
      %cond3A_117 = arith.cmpi ne, %convert_element_type3A_115, %cond3A_116 : i32
      scf.if %cond3A_117 {
        %add3A_119 = arith.constant 1 : i32
        %add3A_120 = arith.addi %add3A_73, %add3A_119 : i32
        %dma_start3A_121 = arith.constant 0 : i32
        %dma_start3A_122 = tpu.memref_slice %arg5[%add3A_120, %dma_start3A_121] : memref<40x128xi32, #tpu.memory_space<vmem>> -> memref<1x128xi32, #tpu.memory_space<vmem>>
        %dma_start3A_123 = tpu.memref_squeeze %dma_start3A_122 : memref<1x128xi32, #tpu.memory_space<vmem>> -> memref<128xi32, #tpu.memory_space<vmem>>
        %dma_start3A_124 = arith.constant 0 : i32
        %dma_start3A_125 = arith.constant 0 : i32
        %dma_start3A_126 = tpu.memref_slice %arg3[%dma_start3A_124, %dma_start3A_125] : memref<10240x128xf32, #tpu.memory_space<hbm>> -> memref<10240x128xf32, #tpu.memory_space<hbm>>
        tpu.enqueue_indirect_dma source(%dma_start3A_126 : memref<10240x128xf32, #tpu.memory_space<hbm>>) target(%arg7 : memref<128x128xf32, #tpu.memory_space<vmem>>) offsets(%dma_start3A_123 : memref<128xi32, #tpu.memory_space<vmem>>) semaphore(%arg10 : memref<!tpu.dma_semaphore, #tpu.memory_space<semaphore_mem>>)
      } else {
      }
      %scan3A_118 = arith.constant 0 : i32
      scf.yield %scan3A_118 : i32
    }
    %scan3A_57 = arith.constant 20 : i32
    %dma_wait3A_58 = arith.constant 39 : i32
    %dma_wait3A_59 = arith.constant 0 : i32
    %dma_wait3A_60 = tpu.memref_slice %arg6[%dma_wait3A_58, %dma_wait3A_59] : memref<40x128xi32, #tpu.memory_space<vmem>> -> memref<1x128xi32, #tpu.memory_space<vmem>>
    %dma_wait3A_61 = tpu.memref_squeeze %dma_wait3A_60 : memref<1x128xi32, #tpu.memory_space<vmem>> -> memref<128xi32, #tpu.memory_space<vmem>>
    %dma_wait3A_62 = arith.constant 0 : i32
    %dma_wait3A_63 = arith.constant 0 : i32
    %dma_wait3A_64 = tpu.memref_slice %arg9[%dma_wait3A_62, %dma_wait3A_63] : memref<10240x128xf32, #tpu.memory_space<vmem_shared>> -> memref<10240x128xf32, #tpu.memory_space<vmem_shared>>
    tpu.wait_indirect_dma semaphore(%arg11 : memref<!tpu.dma_semaphore, #tpu.memory_space<semaphore_mem>>) src(%arg8 : memref<128x128xf32, #tpu.memory_space<vmem>>) dst(%dma_wait3A_64 : memref<10240x128xf32, #tpu.memory_space<vmem_shared>>)
    %barrier3A_65 = arith.constant 0 : index
    tpu.barrier barrier_id(%barrier3A_65)
    %mul3A_66 = arith.constant 640 : i32
    %mul3A_67 = arith.muli %arg1, %mul3A_66 : i32
    "tpu.region"() ({
      %run_scoped3A_68 = tpu.sem_alloc : memref<!tpu.dma_semaphore, #tpu.memory_space<semaphore_mem>>
      %dma_start3A_69 = arith.constant 0 : i32
      %dma_start3A_70 = tpu.memref_slice %arg4[%arg0, %mul3A_67, %dma_start3A_69] : memref<2x10240x128xf32, #tpu.memory_space<hbm>> -> memref<1x640x128xf32, #tpu.memory_space<hbm>>
      %dma_start3A_71 = tpu.memref_squeeze %dma_start3A_70 : memref<1x640x128xf32, #tpu.memory_space<hbm>> -> memref<640x128xf32, #tpu.memory_space<hbm>>
      %dma_start3A_72 = arith.constant 0 : i32
      %dma_start3A_73 = tpu.memref_slice %arg9[%mul3A_67, %dma_start3A_72] : memref<10240x128xf32, #tpu.memory_space<vmem_shared>> -> memref<640x128xf32, #tpu.memory_space<vmem_shared>>
      tpu.enqueue_dma source(%dma_start3A_73 : memref<640x128xf32, #tpu.memory_space<vmem_shared>>) target(%dma_start3A_71 : memref<640x128xf32, #tpu.memory_space<hbm>>) target_semaphore(%run_scoped3A_68 : memref<!tpu.dma_semaphore, #tpu.memory_space<semaphore_mem>>)
      %dma_wait3A_74 = arith.constant 0 : i32
      %dma_wait3A_75 = tpu.memref_slice %arg4[%arg0, %mul3A_67, %dma_wait3A_74] : memref<2x10240x128xf32, #tpu.memory_space<hbm>> -> memref<1x640x128xf32, #tpu.memory_space<hbm>>
      %dma_wait3A_76 = tpu.memref_squeeze %dma_wait3A_75 : memref<1x640x128xf32, #tpu.memory_space<hbm>> -> memref<640x128xf32, #tpu.memory_space<hbm>>
      %dma_wait3A_77 = arith.constant 0 : i32
      %dma_wait3A_78 = tpu.memref_slice %arg9[%mul3A_67, %dma_wait3A_77] : memref<10240x128xf32, #tpu.memory_space<vmem_shared>> -> memref<640x128xf32, #tpu.memory_space<vmem_shared>>
      tpu.wait_dma2 semaphore(%run_scoped3A_68 : memref<!tpu.dma_semaphore, #tpu.memory_space<semaphore_mem>>) src(%dma_wait3A_78 : memref<640x128xf32, #tpu.memory_space<vmem_shared>>) dst(%dma_wait3A_76 : memref<640x128xf32, #tpu.memory_space<hbm>>)
      tpu.yield
    }) : () -> ()
    return
  }
}

#map = affine_map<(d0, d1) -> (0, 0, 0)>
#map1 = affine_map<(d0, d1) -> (0, 0)>
module attributes {stable_mosaic.version = 14 : i64} {
  func.func @deg_kernel(%arg0: i32, %arg1: i32, %arg2: memref<2x2560x128xi32, #tpu.memory_space<hbm>>, %arg3: memref<2x10240xf32, #tpu.memory_space<hbm>>, %arg4: memref<80x128xi32, #tpu.memory_space<vmem>>, %arg5: memref<128xf32, #tpu.memory_space<vmem>>, %arg6: memref<640xf32, #tpu.memory_space<vmem>>, %arg7: memref<10240xf32, #tpu.memory_space<vmem_shared>>, %arg8: memref<!tpu.dma_semaphore, #tpu.memory_space<semaphore_mem>>) attributes {dimension_semantics = [#tpu.dimension_semantics<core_parallel>, #tpu.dimension_semantics<subcore_parallel>], iteration_bounds = array<i64: 2, 16>, scalar_prefetch = 0 : i64, scratch_operands = 5 : i64, tpu.core_type = #tpu.core_type<sc_vector_subcore>, window_params = [{transform_indices = #map}, {transform_indices = #map1}]} {
    %mul3A = arith.constant 16 : i32
    %mul3A_0 = arith.muli %arg0, %mul3A : i32
    %add3A = arith.addi %mul3A_0, %arg1 : i32
    %scan3A = arith.constant 0 : i32
    %scan3A_1 = arith.constant 0 : i32
    %scan3A_2 = arith.constant 8 : i32
    %scan3A_3 = arith.addi %scan3A_1, %scan3A_2 : i32
    %scan3A_4 = arith.constant 1 : i32
    %scan3A_5 = scf.for %scan3A_35 = %scan3A_1 to %scan3A_3 step %scan3A_4 iter_args(%scan3A_36 = %scan3A) -> (i32)  : i32 {
      %broadcast_in_dim3A = arith.constant 1.000000e+00 : f32
      %broadcast_in_dim3A_37 = vector.broadcast %broadcast_in_dim3A : f32 to vector<16xf32>
      %mul3A_38 = arith.constant 16 : i32
      %mul3A_39 = arith.muli %scan3A_35, %mul3A_38 : i32
      %swap3A = arith.index_cast %mul3A_39 : i32 to index
      %swap3A_40 = tpu.vector_load %arg5[%swap3A] {strides = array<i32>} : memref<128xf32, #tpu.memory_space<vmem>>, vector<16xf32>,
      %swap3A_41 = vector.shape_cast %swap3A_40 : vector<16xf32> to vector<16xf32>
      %swap3A_42 = vector.shape_cast %broadcast_in_dim3A_37 : vector<16xf32> to vector<16xf32>
      tpu.vector_store %arg5[%swap3A], %swap3A_42 {strides = array<i32>} : memref<128xf32, #tpu.memory_space<vmem>>, vector<16xf32>,
      %scan3A_43 = arith.constant 0 : i32
      scf.yield %scan3A_43 : i32
    }
    %scan3A_6 = arith.constant 8 : i32
    %scan3A_7 = arith.constant 0 : i32
    %scan3A_8 = arith.constant 0 : i32
    %scan3A_9 = arith.constant 40 : i32
    %scan3A_10 = arith.addi %scan3A_8, %scan3A_9 : i32
    %scan3A_11 = arith.constant 1 : i32
    %scan3A_12 = scf.for %scan3A_35 = %scan3A_8 to %scan3A_10 step %scan3A_11 iter_args(%scan3A_36 = %scan3A_7) -> (i32)  : i32 {
      %broadcast_in_dim3A = arith.constant 0.000000e+00 : f32
      %broadcast_in_dim3A_37 = vector.broadcast %broadcast_in_dim3A : f32 to vector<16xf32>
      %mul3A_38 = arith.constant 16 : i32
      %mul3A_39 = arith.muli %scan3A_35, %mul3A_38 : i32
      %swap3A = arith.index_cast %mul3A_39 : i32 to index
      %swap3A_40 = tpu.vector_load %arg6[%swap3A] {strides = array<i32>} : memref<640xf32, #tpu.memory_space<vmem>>, vector<16xf32>,
      %swap3A_41 = vector.shape_cast %swap3A_40 : vector<16xf32> to vector<16xf32>
      %swap3A_42 = vector.shape_cast %broadcast_in_dim3A_37 : vector<16xf32> to vector<16xf32>
      tpu.vector_store %arg6[%swap3A], %swap3A_42 {strides = array<i32>} : memref<640xf32, #tpu.memory_space<vmem>>, vector<16xf32>,
      %scan3A_43 = arith.constant 0 : i32
      scf.yield %scan3A_43 : i32
    }
    %scan3A_13 = arith.constant 40 : i32
    %mul3A_14 = arith.constant 640 : i32
    %mul3A_15 = arith.muli %arg1, %mul3A_14 : i32
    "tpu.region"() ({
      %run_scoped3A_35 = tpu.sem_alloc : memref<!tpu.dma_semaphore, #tpu.memory_space<semaphore_mem>>
      %dma_start3A = tpu.memref_slice %arg7[%mul3A_15] : memref<10240xf32, #tpu.memory_space<vmem_shared>> -> memref<640xf32, #tpu.memory_space<vmem_shared>>
      %dma_start3A_36 = tpu.memref_slice %arg7[%mul3A_15] : memref<10240xf32, #tpu.memory_space<vmem_shared>> -> memref<640xf32, #tpu.memory_space<vmem_shared>>
      tpu.enqueue_dma source(%arg6 : memref<640xf32, #tpu.memory_space<vmem>>) target(%dma_start3A_36 : memref<640xf32, #tpu.memory_space<vmem_shared>>) target_semaphore(%run_scoped3A_35 : memref<!tpu.dma_semaphore, #tpu.memory_space<semaphore_mem>>)
      %dma_wait3A = tpu.memref_slice %arg7[%mul3A_15] : memref<10240xf32, #tpu.memory_space<vmem_shared>> -> memref<640xf32, #tpu.memory_space<vmem_shared>>
      %dma_wait3A_37 = tpu.memref_slice %arg7[%mul3A_15] : memref<10240xf32, #tpu.memory_space<vmem_shared>> -> memref<640xf32, #tpu.memory_space<vmem_shared>>
      tpu.wait_dma2 semaphore(%run_scoped3A_35 : memref<!tpu.dma_semaphore, #tpu.memory_space<semaphore_mem>>) src(%arg6 : memref<640xf32, #tpu.memory_space<vmem>>) dst(%dma_wait3A_37 : memref<640xf32, #tpu.memory_space<vmem_shared>>)
      tpu.yield
    }) : () -> ()
    %mul3A_16 = arith.constant 80 : i32
    %mul3A_17 = arith.muli %add3A, %mul3A_16 : i32
    %run_scoped3A = arith.constant 1 : i32
    "tpu.region"() ({
      %run_scoped3A_35 = tpu.sem_alloc : memref<!tpu.dma_semaphore, #tpu.memory_space<semaphore_mem>>
      %dma_start3A = arith.constant 0 : i32
      %dma_start3A_36 = tpu.memref_slice %arg2[%run_scoped3A, %mul3A_17, %dma_start3A] : memref<2x2560x128xi32, #tpu.memory_space<hbm>> -> memref<1x80x128xi32, #tpu.memory_space<hbm>>
      %dma_start3A_37 = tpu.memref_squeeze %dma_start3A_36 : memref<1x80x128xi32, #tpu.memory_space<hbm>> -> memref<80x128xi32, #tpu.memory_space<hbm>>
      %dma_start3A_38 = arith.constant 0 : i32
      %dma_start3A_39 = tpu.memref_slice %arg2[%run_scoped3A, %mul3A_17, %dma_start3A_38] : memref<2x2560x128xi32, #tpu.memory_space<hbm>> -> memref<1x80x128xi32, #tpu.memory_space<hbm>>
      %dma_start3A_40 = tpu.memref_squeeze %dma_start3A_39 : memref<1x80x128xi32, #tpu.memory_space<hbm>> -> memref<80x128xi32, #tpu.memory_space<hbm>>
      tpu.enqueue_dma source(%dma_start3A_40 : memref<80x128xi32, #tpu.memory_space<hbm>>) target(%arg4 : memref<80x128xi32, #tpu.memory_space<vmem>>) target_semaphore(%run_scoped3A_35 : memref<!tpu.dma_semaphore, #tpu.memory_space<semaphore_mem>>)
      %dma_wait3A = arith.constant 0 : i32
      %dma_wait3A_41 = tpu.memref_slice %arg2[%run_scoped3A, %mul3A_17, %dma_wait3A] : memref<2x2560x128xi32, #tpu.memory_space<hbm>> -> memref<1x80x128xi32, #tpu.memory_space<hbm>>
      %dma_wait3A_42 = tpu.memref_squeeze %dma_wait3A_41 : memref<1x80x128xi32, #tpu.memory_space<hbm>> -> memref<80x128xi32, #tpu.memory_space<hbm>>
      %dma_wait3A_43 = arith.constant 0 : i32
      %dma_wait3A_44 = tpu.memref_slice %arg2[%run_scoped3A, %mul3A_17, %dma_wait3A_43] : memref<2x2560x128xi32, #tpu.memory_space<hbm>> -> memref<1x80x128xi32, #tpu.memory_space<hbm>>
      %dma_wait3A_45 = tpu.memref_squeeze %dma_wait3A_44 : memref<1x80x128xi32, #tpu.memory_space<hbm>> -> memref<80x128xi32, #tpu.memory_space<hbm>>
      tpu.wait_dma2 semaphore(%run_scoped3A_35 : memref<!tpu.dma_semaphore, #tpu.memory_space<semaphore_mem>>) src(%dma_wait3A_45 : memref<80x128xi32, #tpu.memory_space<hbm>>) dst(%arg4 : memref<80x128xi32, #tpu.memory_space<vmem>>)
      tpu.yield
    }) : () -> ()
    %barrier3A = arith.constant 0 : index
    tpu.barrier barrier_id(%barrier3A)
    %scan3A_18 = arith.constant 0 : i32
    %scan3A_19 = arith.constant 0 : i32
    %scan3A_20 = arith.constant 80 : i32
    %scan3A_21 = arith.addi %scan3A_19, %scan3A_20 : i32
    %scan3A_22 = arith.constant 1 : i32
    %scan3A_23 = scf.for %scan3A_35 = %scan3A_19 to %scan3A_21 step %scan3A_22 iter_args(%scan3A_36 = %scan3A_18) -> (i32)  : i32 {
      %dma_start3A = arith.constant 0 : i32
      %dma_start3A_37 = tpu.memref_slice %arg4[%scan3A_35, %dma_start3A] : memref<80x128xi32, #tpu.memory_space<vmem>> -> memref<1x128xi32, #tpu.memory_space<vmem>>
      %dma_start3A_38 = tpu.memref_squeeze %dma_start3A_37 : memref<1x128xi32, #tpu.memory_space<vmem>> -> memref<128xi32, #tpu.memory_space<vmem>>
      %dma_start3A_39 = arith.constant 0 : i32
      %dma_start3A_40 = tpu.memref_slice %arg7[%dma_start3A_39] : memref<10240xf32, #tpu.memory_space<vmem_shared>> -> memref<10240xf32, #tpu.memory_space<vmem_shared>>
      tpu.enqueue_indirect_dma source(%arg5 : memref<128xf32, #tpu.memory_space<vmem>>) target(%dma_start3A_40 : memref<10240xf32, #tpu.memory_space<vmem_shared>>) offsets(%dma_start3A_38 : memref<128xi32, #tpu.memory_space<vmem>>) semaphore(%arg8 : memref<!tpu.dma_semaphore, #tpu.memory_space<semaphore_mem>>) {add = true}
      %ge3A = arith.constant 8 : i32
      %ge3A_41 = arith.cmpi sge, %scan3A_35, %ge3A : i32
      %convert_element_type3A = arith.extui %ge3A_41 : i1 to i32
      %cond3A = arith.constant 0 : i32
      %cond3A_42 = arith.cmpi ne, %convert_element_type3A, %cond3A : i32
      scf.if %cond3A_42 {
        %sub3A = arith.constant 8 : i32
        %sub3A_44 = arith.subi %scan3A_35, %sub3A : i32
        %dma_wait3A = arith.constant 0 : i32
        %dma_wait3A_45 = tpu.memref_slice %arg4[%sub3A_44, %dma_wait3A] : memref<80x128xi32, #tpu.memory_space<vmem>> -> memref<1x128xi32, #tpu.memory_space<vmem>>
        %dma_wait3A_46 = tpu.memref_squeeze %dma_wait3A_45 : memref<1x128xi32, #tpu.memory_space<vmem>> -> memref<128xi32, #tpu.memory_space<vmem>>
        %dma_wait3A_47 = arith.constant 0 : i32
        %dma_wait3A_48 = tpu.memref_slice %arg7[%dma_wait3A_47] : memref<10240xf32, #tpu.memory_space<vmem_shared>> -> memref<10240xf32, #tpu.memory_space<vmem_shared>>
        tpu.wait_indirect_dma semaphore(%arg8 : memref<!tpu.dma_semaphore, #tpu.memory_space<semaphore_mem>>) src(%arg5 : memref<128xf32, #tpu.memory_space<vmem>>) dst(%dma_wait3A_48 : memref<10240xf32, #tpu.memory_space<vmem_shared>>)
      } else {
      }
      %scan3A_43 = arith.constant 0 : i32
      scf.yield %scan3A_43 : i32
    }
    %scan3A_24 = arith.constant 80 : i32
    %scan3A_25 = arith.constant 0 : i32
    %scan3A_26 = arith.constant 0 : i32
    %scan3A_27 = arith.constant 8 : i32
    %scan3A_28 = arith.addi %scan3A_26, %scan3A_27 : i32
    %scan3A_29 = arith.constant 1 : i32
    %scan3A_30 = scf.for %scan3A_35 = %scan3A_26 to %scan3A_28 step %scan3A_29 iter_args(%scan3A_36 = %scan3A_25) -> (i32)  : i32 {
      %add3A_37 = arith.constant 72 : i32
      %add3A_38 = arith.addi %add3A_37, %scan3A_35 : i32
      %dma_wait3A = arith.constant 0 : i32
      %dma_wait3A_39 = tpu.memref_slice %arg4[%add3A_38, %dma_wait3A] : memref<80x128xi32, #tpu.memory_space<vmem>> -> memref<1x128xi32, #tpu.memory_space<vmem>>
      %dma_wait3A_40 = tpu.memref_squeeze %dma_wait3A_39 : memref<1x128xi32, #tpu.memory_space<vmem>> -> memref<128xi32, #tpu.memory_space<vmem>>
      %dma_wait3A_41 = arith.constant 0 : i32
      %dma_wait3A_42 = tpu.memref_slice %arg7[%dma_wait3A_41] : memref<10240xf32, #tpu.memory_space<vmem_shared>> -> memref<10240xf32, #tpu.memory_space<vmem_shared>>
      tpu.wait_indirect_dma semaphore(%arg8 : memref<!tpu.dma_semaphore, #tpu.memory_space<semaphore_mem>>) src(%arg5 : memref<128xf32, #tpu.memory_space<vmem>>) dst(%dma_wait3A_42 : memref<10240xf32, #tpu.memory_space<vmem_shared>>)
      %scan3A_43 = arith.constant 0 : i32
      scf.yield %scan3A_43 : i32
    }
    %scan3A_31 = arith.constant 8 : i32
    %barrier3A_32 = arith.constant 0 : index
    tpu.barrier barrier_id(%barrier3A_32)
    %mul3A_33 = arith.constant 640 : i32
    %mul3A_34 = arith.muli %arg1, %mul3A_33 : i32
    "tpu.region"() ({
      %run_scoped3A_35 = tpu.sem_alloc : memref<!tpu.dma_semaphore, #tpu.memory_space<semaphore_mem>>
      %dma_start3A = tpu.memref_slice %arg3[%arg0, %mul3A_34] : memref<2x10240xf32, #tpu.memory_space<hbm>> -> memref<1x640xf32, #tpu.memory_space<hbm>>
      %dma_start3A_36 = tpu.memref_squeeze %dma_start3A : memref<1x640xf32, #tpu.memory_space<hbm>> -> memref<640xf32, #tpu.memory_space<hbm>>
      %dma_start3A_37 = tpu.memref_slice %arg7[%mul3A_34] : memref<10240xf32, #tpu.memory_space<vmem_shared>> -> memref<640xf32, #tpu.memory_space<vmem_shared>>
      tpu.enqueue_dma source(%dma_start3A_37 : memref<640xf32, #tpu.memory_space<vmem_shared>>) target(%dma_start3A_36 : memref<640xf32, #tpu.memory_space<hbm>>) target_semaphore(%run_scoped3A_35 : memref<!tpu.dma_semaphore, #tpu.memory_space<semaphore_mem>>)
      %dma_wait3A = tpu.memref_slice %arg3[%arg0, %mul3A_34] : memref<2x10240xf32, #tpu.memory_space<hbm>> -> memref<1x640xf32, #tpu.memory_space<hbm>>
      %dma_wait3A_38 = tpu.memref_squeeze %dma_wait3A : memref<1x640xf32, #tpu.memory_space<hbm>> -> memref<640xf32, #tpu.memory_space<hbm>>
      %dma_wait3A_39 = tpu.memref_slice %arg7[%mul3A_34] : memref<10240xf32, #tpu.memory_space<vmem_shared>> -> memref<640xf32, #tpu.memory_space<vmem_shared>>
      tpu.wait_dma2 semaphore(%run_scoped3A_35 : memref<!tpu.dma_semaphore, #tpu.memory_space<semaphore_mem>>) src(%dma_wait3A_39 : memref<640xf32, #tpu.memory_space<vmem_shared>>) dst(%dma_wait3A_38 : memref<640xf32, #tpu.memory_space<hbm>>)
      tpu.yield
    }) : () -> ()
    return
  }
}

module attributes {stable_mosaic.version = 14 : i64} {
  func.func @body(%arg0: i32, %arg1: memref<2048x128xf32, #tpu.memory_space<vmem>>, %arg2: memref<128x128xf32, #tpu.memory_space<vmem>>, %arg3: memref<2048x2xf32, #tpu.memory_space<vmem>>, %arg4: memref<2048x128xf32, #tpu.memory_space<vmem>>) attributes {dimension_semantics = [#tpu.dimension_semantics<arbitrary>], iteration_bounds = array<i64: 5>, scalar_prefetch = 0 : i64, scratch_operands = 0 : i64, tpu.core_type = #tpu.core_type<tc>, window_params = [{transform_indices = @transform_0, window_bounds = array<i64: 2048, 128>}, {pipeline_mode = #tpu.pipeline_mode<synchronous>, transform_indices = @transform_1, window_bounds = array<i64: 128, 128>}, {transform_indices = @transform_2, window_bounds = array<i64: 2048, 2>}, {transform_indices = @transform_3, window_bounds = array<i64: 2048, 128>}]} {
    %get3A = arith.constant 0 : index
    %get3A_0 = arith.constant 0 : index
    %get3A_1 = vector.load %arg3[%get3A, %get3A_0] : memref<2048x2xf32, #tpu.memory_space<vmem>>, vector<2048x1xf32>
    %get3A_2 = arith.constant 0 : index
    %get3A_3 = arith.constant 1 : index
    %get3A_4 = vector.load %arg3[%get3A_2, %get3A_3] : memref<2048x2xf32, #tpu.memory_space<vmem>>, vector<2048x1xf32>
    %add3A = arith.addf %get3A_1, %get3A_4 : vector<2048x1xf32>
    %add3A_5 = arith.constant 1.000000e+00 : f32
    %add3A_6 = vector.broadcast %add3A_5 : f32 to vector<2048x1xf32>
    %add3A_7 = arith.addf %add3A, %add3A_6 : vector<2048x1xf32>
    %rsqrt3A = math.rsqrt %add3A_7 : vector<2048x1xf32>
    %get3A_8 = arith.constant 0 : index
    %get3A_9 = arith.constant 0 : index
    %get3A_10 = vector.load %arg1[%get3A_8, %get3A_9] : memref<2048x128xf32, #tpu.memory_space<vmem>>, vector<2048x128xf32>
    %get3A_11 = arith.constant 0 : index
    %get3A_12 = arith.constant 0 : index
    %get3A_13 = vector.load %arg2[%get3A_11, %get3A_12] : memref<128x128xf32, #tpu.memory_space<vmem>>, vector<128x128xf32>
    %dot_general3A = arith.constant dense<0.000000e+00> : vector<2048x128xf32>
    %dot_general3A_14 = tpu.matmul %get3A_10, %get3A_13, %dot_general3A {dimension_numbers = #tpu.dot_dimension_numbers<[1], [0], [0], [1], [0, 0, 1, 1], [], []>, transpose_lhs_hint = false} : vector<2048x128xf32>, vector<128x128xf32>, vector<2048x128xf32> -> vector<2048x128xf32>
    %mul3A = vector.broadcast %rsqrt3A : vector<2048x1xf32> to vector<2048x128xf32>
    %mul3A_15 = arith.mulf %dot_general3A_14, %mul3A : vector<2048x128xf32>
    %swap3A = arith.constant 0 : index
    %swap3A_16 = arith.constant 0 : index
    %swap3A_17 = vector.load %arg4[%swap3A, %swap3A_16] : memref<2048x128xf32, #tpu.memory_space<vmem>>, vector<2048x128xf32>
    tpu.vector_store %arg4[%swap3A, %swap3A_16], %mul3A_15 {strides = array<i32>} : memref<2048x128xf32, #tpu.memory_space<vmem>>, vector<2048x128xf32>,
    return
  }
  func.func @transform_0(%arg0: i32) -> (i32, i32) {
    %c0_i32 = arith.constant 0 : i32
    %c0_i32_0 = arith.constant 0 : i32
    return %arg0, %c0_i32 : i32, i32
  }
  func.func @transform_1(%arg0: i32) -> (i32, i32) {
    %c0_i32 = arith.constant 0 : i32
    %c0_i32_0 = arith.constant 0 : i32
    %c0_i32_1 = arith.constant 0 : i32
    return %c0_i32, %c0_i32_0 : i32, i32
  }
  func.func @transform_2(%arg0: i32) -> (i32, i32) {
    %c0_i32 = arith.constant 0 : i32
    %c0_i32_0 = arith.constant 0 : i32
    return %arg0, %c0_i32 : i32, i32
  }
  func.func @transform_3(%arg0: i32) -> (i32, i32) {
    %c0_i32 = arith.constant 0 : i32
    %c0_i32_0 = arith.constant 0 : i32
    return %arg0, %c0_i32 : i32, i32
  }
}

module attributes {stable_mosaic.version = 14 : i64} {
  func.func @body(%arg0: i32, %arg1: memref<1x2048x128xf32, #tpu.memory_space<vmem>>, %arg2: memref<1x2048x128xf32, #tpu.memory_space<vmem>>, %arg3: memref<2048x128xf32, #tpu.memory_space<vmem>>, %arg4: memref<2048x2xf32, #tpu.memory_space<vmem>>, %arg5: memref<1x128xf32, #tpu.memory_space<vmem>>, %arg6: memref<2048x128xf32, #tpu.memory_space<vmem>>) attributes {dimension_semantics = [#tpu.dimension_semantics<arbitrary>], iteration_bounds = array<i64: 5>, scalar_prefetch = 0 : i64, scratch_operands = 0 : i64, tpu.core_type = #tpu.core_type<tc>, window_params = [{transform_indices = @transform_0, window_bounds = array<i64: 1, 2048, 128>}, {transform_indices = @transform_1, window_bounds = array<i64: 1, 2048, 128>}, {transform_indices = @transform_2, window_bounds = array<i64: 2048, 128>}, {transform_indices = @transform_3, window_bounds = array<i64: 2048, 2>}, {pipeline_mode = #tpu.pipeline_mode<synchronous>, transform_indices = @transform_4, window_bounds = array<i64: 1, 128>}, {transform_indices = @transform_5, window_bounds = array<i64: 2048, 128>}]} {
    %get3A = arith.constant 0 : index
    %get3A_0 = arith.constant 0 : index
    %get3A_1 = vector.load %arg4[%get3A, %get3A_0] : memref<2048x2xf32, #tpu.memory_space<vmem>>, vector<2048x1xf32>
    %get3A_2 = arith.constant 0 : index
    %get3A_3 = arith.constant 1 : index
    %get3A_4 = vector.load %arg4[%get3A_2, %get3A_3] : memref<2048x2xf32, #tpu.memory_space<vmem>>, vector<2048x1xf32>
    %add3A = arith.addf %get3A_1, %get3A_4 : vector<2048x1xf32>
    %add3A_5 = arith.constant 1.000000e+00 : f32
    %add3A_6 = vector.broadcast %add3A_5 : f32 to vector<2048x1xf32>
    %add3A_7 = arith.addf %add3A, %add3A_6 : vector<2048x1xf32>
    %rsqrt3A = math.rsqrt %add3A_7 : vector<2048x1xf32>
    %get3A_8 = arith.constant 0 : index
    %get3A_9 = arith.constant 0 : index
    %get3A_10 = arith.constant 0 : index
    %get3A_11 = vector.load %arg1[%get3A_8, %get3A_9, %get3A_10] : memref<1x2048x128xf32, #tpu.memory_space<vmem>>, vector<1x2048x128xf32>
    %get3A_12 = vector.shape_cast %get3A_11 : vector<1x2048x128xf32> to vector<2048x128xf32>
    %get3A_13 = arith.constant 0 : index
    %get3A_14 = arith.constant 0 : index
    %get3A_15 = arith.constant 0 : index
    %get3A_16 = vector.load %arg2[%get3A_13, %get3A_14, %get3A_15] : memref<1x2048x128xf32, #tpu.memory_space<vmem>>, vector<1x2048x128xf32>
    %get3A_17 = vector.shape_cast %get3A_16 : vector<1x2048x128xf32> to vector<2048x128xf32>
    %add3A_18 = arith.addf %get3A_12, %get3A_17 : vector<2048x128xf32>
    %get3A_19 = arith.constant 0 : index
    %get3A_20 = arith.constant 0 : index
    %get3A_21 = vector.load %arg3[%get3A_19, %get3A_20] : memref<2048x128xf32, #tpu.memory_space<vmem>>, vector<2048x128xf32>
    %add3A_22 = arith.addf %add3A_18, %get3A_21 : vector<2048x128xf32>
    %mul3A = vector.broadcast %rsqrt3A : vector<2048x1xf32> to vector<2048x128xf32>
    %mul3A_23 = arith.mulf %mul3A, %add3A_22 : vector<2048x128xf32>
    %get3A_24 = arith.constant 0 : index
    %get3A_25 = arith.constant 0 : index
    %get3A_26 = vector.load %arg5[%get3A_24, %get3A_25] : memref<1x128xf32, #tpu.memory_space<vmem>>, vector<1x128xf32>
    %add3A_27 = vector.broadcast %get3A_26 : vector<1x128xf32> to vector<2048x128xf32>
    %add3A_28 = arith.addf %mul3A_23, %add3A_27 : vector<2048x128xf32>
    %swap3A = arith.constant 0 : index
    %swap3A_29 = arith.constant 0 : index
    %swap3A_30 = vector.load %arg6[%swap3A, %swap3A_29] : memref<2048x128xf32, #tpu.memory_space<vmem>>, vector<2048x128xf32>
    tpu.vector_store %arg6[%swap3A, %swap3A_29], %add3A_28 {strides = array<i32>} : memref<2048x128xf32, #tpu.memory_space<vmem>>, vector<2048x128xf32>,
    return
  }
  func.func @transform_0(%arg0: i32) -> (i32, i32, i32) {
    %c0_i32 = arith.constant 0 : i32
    %c0_i32_0 = arith.constant 0 : i32
    %c0_i32_1 = arith.constant 0 : i32
    return %c0_i32, %arg0, %c0_i32_0 : i32, i32, i32
  }
  func.func @transform_1(%arg0: i32) -> (i32, i32, i32) {
    %c1_i32 = arith.constant 1 : i32
    %c0_i32 = arith.constant 0 : i32
    %c0_i32_0 = arith.constant 0 : i32
    return %c1_i32, %arg0, %c0_i32 : i32, i32, i32
  }
  func.func @transform_2(%arg0: i32) -> (i32, i32) {
    %c0_i32 = arith.constant 0 : i32
    %c0_i32_0 = arith.constant 0 : i32
    return %arg0, %c0_i32 : i32, i32
  }
  func.func @transform_3(%arg0: i32) -> (i32, i32) {
    %c0_i32 = arith.constant 0 : i32
    %c0_i32_0 = arith.constant 0 : i32
    return %arg0, %c0_i32 : i32, i32
  }
  func.func @transform_4(%arg0: i32) -> (i32, i32) {
    %c0_i32 = arith.constant 0 : i32
    %c0_i32_0 = arith.constant 0 : i32
    %c0_i32_1 = arith.constant 0 : i32
    return %c0_i32, %c0_i32_0 : i32, i32
  }
  func.func @transform_5(%arg0: i32) -> (i32, i32) {
    %c0_i32 = arith.constant 0 : i32
    %c0_i32_0 = arith.constant 0 : i32
    return %arg0, %c0_i32 : i32, i32
  }
}

</mosaic_0001>

<sc_bundles>
// kernel: kernel.6.cloned.1.call-start
scs
__scs_entry_jumppad:
0x0: {  	(pc) =	sbr.rel $0x88, $3  }
0x1: {  	(tag) =	ssettag $0x0;
	lr =	simm.s32 $0x1  }
0x2: {  	[smem:$0x3F9D] =	sst lr;
	_ =	strace $0xD0000000  }
0x3: {  	_ = 	snop  }
0x4: {  	_ = 	snop  }
0x5: {  	_ = 	snop  }
0x6: {  	_ = 	snop  }
0x7: {  	_ = 	snop  }
__scs_overlays_trampoline_lowered:
0x8: {  	[smem:$0x3FAC] =	sst s0  }
0x9: {  	[smem:$0x3FAD] =	sst s1  }
0xa: {  	[smem:$0x3FAE] =	sst s2  }
0xb: {  	[smem:$0x3FAF] =	sst s3  }
0xc: {  	[smem:$0x3FB0] =	sst s4  }
0xd: {  	[smem:$0x3FB1] =	sst s5  }
0xe: {  	[smem:$0x3FB2] =	sst s6  }
0xf: {  	[smem:$0x3FB3] =	sst s7  }
0x10: {  	[smem:$0x3FB4] =	sst s8  }
0x11: {  	[smem:$0x3FB5] =	sst s9;
	s0 =	simm.s32 @!p0 $0x0  }
0x12: {  	s1 =	sld [smem:$0x3F9B];
	s0 =	simm.s32 @p0 $0x1  }
0x13: {  	[smem:$0x3FB6] =	sst s0;
	s0 =	simm.s32 @!p1 $0x0  }
0x14: {  	s2 =	sld [smem:$0x3F9A];
	s0 =	simm.s32 @p1 $0x1  }
0x15: {  	[smem:$0x3FB7] =	sst s0;
	s0 =	simm.s32 @!p2 $0x0  }
0x16: {  	s3 =	sld [smem:$0x3FDB];
	s0 =	simm.s32 @p2 $0x1  }
0x17: {  	s4 =	simm.s32 $0x1BF5;
	[smem:$0x3FB9] =	sst s0  }
0x18: {  	s0 =	sld [smem:$0x3F9C];
	_ =	swait.ge [sflag:s4], $0x0  }
0x19: {  	s7 =	sld [smem:$0x3F9D]  }
0x1a: {  	s8 =	sadd.s32 $0xFFFFE003, lr  }
0x1b: {  	s9 =	sadd.s32 $0xFFFFFEF7, lr;
	s5 =	simm.s32 $0xFFFFFFFF;
	p2 =	slt.u32 s8, $0xFFFFF086  }
0x1c: {  	p1 =	slt.u32 s9, $0xF7A;
	s5 =	simm.s32 @!p2 $0x0  }
0x1d: {  	s5 =	simm.s32 @p1 $0x1;
	p0 =	seq.s32 s7, s2  }
0x1e: {  	s7 =	smul.u32 @!p0 $0xF7A, s2;
	p2 =	seq.s32 @!p0 s5, $0x0  }
0x1f: {  	s9 =	smul.u32 $0xF7A, s1;
	s8 =	simm.s32 @!p0 $0x1BF5;
	p2 =	por !p2, p0  }
0x20: {  	[sflag:s8] =	ssyncset.s32 @!p0 $0xFFFFF086;
	s6 =	sadd.s32 @!p0 s3, s7;
	s7 =	simm.s32 @!p0 $0x108  }
0x21: {  	s3 =	sadd.s32 s3, s9;
	s6 =	sadd.s32 @!p0 $0x88, s6;
	s7 =	simm.s32 @p2 $0x1082  }
0x22: {  	[simem:s7], [sflag:s8] =	dma.local @!p0 [hbm:s6], $0xF7A  }
0x23: {  	s9 =	sor.u32 $0xD0000000, s2;
	s6 =	simm.s32 $0x108;
	_ =	swait.ge @!p0 [sflag:s8], $0x0  }
0x24: {  	s3 =	sadd.s32 $0x88, s3;
	s6 =	simm.s32 @!p1 $0x1082;
	[sflag:s4] =	ssyncset.s32 $0xFFFFF086  }
0x25: {  	[simem:s6], [sflag:s4] =	dma.local [hbm:s3], $0xF7A  }
0x26: {  	[smem:$0x3F9D] =	sst s1;
	(tag) =	ssettag s2;
	_ =	strace s9  }
0x27: {  	s1 =	sld [smem:$0x3FAD]  }
0x28: {  	s2 =	sld [smem:$0x3FAE]  }
0x29: {  	s4 =	sld [smem:$0x3FB0]  }
0x2a: {  	p0 =	seq.s32 s5, $0x0;
	s5 =	sld [smem:$0x3FB1]  }
0x2b: {  	s6 =	sld [smem:$0x3FB2]  }
0x2c: {  	s7 =	sld [smem:$0x3FB3]  }
0x2d: {  	s3 =	simm.s32 $0x108;
	s8 =	sld [smem:$0x3FB4]  }
0x2e: {  	s3 =	simm.s32 @!p0 $0x1082;
	s9 =	sld [smem:$0x3FB5]  }
0x2f: {  	lr =	sadd.s32 s0, s3;
	s0 =	sld [smem:$0x3FAC]  }
0x30: {  	s3 =	sld [smem:$0x3FAF]  }
0x31: {  	[smem:$0x3FB8] =	sst s10  }
0x32: {  	s10 =	sld [smem:$0x3FB6];
	_ =	sdelay $0x3  }
0x33: {  	p0 =	seq.s32 s10, $0x1;
	s10 =	sld [smem:$0x3FB8];
	_ =	sdelay $0x3  }
0x34: {  	[smem:$0x3FB8] =	sst s10  }
0x35: {  	s10 =	sld [smem:$0x3FB7];
	_ =	sdelay $0x3  }
0x36: {  	p1 =	seq.s32 s10, $0x1;
	s10 =	sld [smem:$0x3FB8];
	_ =	sdelay $0x3  }
0x37: {  	[smem:$0x3FB8] =	sst s10  }
0x38: {  	s10 =	sld [smem:$0x3FB9]  }
0x39: {  	_ = 	snop;
	(pc) =	sbr.ind lr, $3  }
0x3a: {  	_ = 	snop  }
0x3b: {  	_ = 	snop  }
0x3c: {  	p2 =	seq.s32 s10, $0x1;
	s10 =	sld [smem:$0x3FB8]  }
0x3d: {  	_ =	shalt  }
0x3e: {  	_ =	shalt  }
0x3f: {  	_ =	shalt  }
0x40: {  	_ =	shalt  }
0x41: {  	_ =	shalt  }
0x42: {  	_ =	shalt  }
0x43: {  	_ =	shalt  }
0x44: {  	_ =	shalt  }
0x45: {  	_ =	shalt  }
0x46: {  	_ =	shalt  }
0x47: {  	_ =	shalt  }
0x48: {  	_ =	shalt  }
0x49: {  	_ =	shalt  }
0x4a: {  	_ =	shalt  }
0x4b: {  	_ =	shalt  }
0x4c: {  	_ =	shalt  }
0x4d: {  	_ =	shalt  }
0x4e: {  	_ =	shalt  }
0x4f: {  	_ =	shalt  }
0x50: {  	_ =	shalt  }
0x51: {  	_ =	shalt  }
0x52: {  	_ =	shalt  }
0x53: {  	_ =	shalt  }
0x54: {  	_ =	shalt  }
0x55: {  	_ =	shalt  }
0x56: {  	_ =	shalt  }
0x57: {  	_ =	shalt  }
0x58: {  	_ =	shalt  }
0x59: {  	_ =	shalt  }
0x5a: {  	_ =	shalt  }
0x5b: {  	_ =	shalt  }
0x5c: {  	_ =	shalt  }
0x5d: {  	_ =	shalt  }
0x5e: {  	_ =	shalt  }
0x5f: {  	_ =	shalt  }
0x60: {  	_ =	shalt  }
0x61: {  	_ =	shalt  }
0x62: {  	_ =	shalt  }
0x63: {  	_ =	shalt  }
0x64: {  	_ =	shalt  }
0x65: {  	_ =	shalt  }
0x66: {  	_ =	shalt  }
0x67: {  	_ =	shalt  }
0x68: {  	_ =	shalt  }
0x69: {  	_ =	shalt  }
0x6a: {  	_ =	shalt  }
0x6b: {  	_ =	shalt  }
0x6c: {  	_ =	shalt  }
0x6d: {  	_ =	shalt  }
0x6e: {  	_ =	shalt  }
0x6f: {  	_ =	shalt  }
0x70: {  	_ =	shalt  }
0x71: {  	_ =	shalt  }
0x72: {  	_ =	shalt  }
0x73: {  	_ =	shalt  }
0x74: {  	_ =	shalt  }
0x75: {  	_ =	shalt  }
0x76: {  	_ =	shalt  }
0x77: {  	_ =	shalt  }
0x78: {  	_ =	shalt  }
0x79: {  	_ =	shalt  }
0x7a: {  	_ =	shalt  }
0x7b: {  	_ =	shalt  }
0x7c: {  	_ =	shalt  }
0x7d: {  	_ =	shalt  }
0x7e: {  	_ =	shalt  }
0x7f: {  	_ =	shalt  }
0x80: {  	_ =	shalt  }
0x81: {  	_ =	shalt  }
0x82: {  	_ =	shalt  }
0x83: {  	_ =	shalt  }
0x84: {  	_ =	shalt  }
0x85: {  	_ =	shalt  }
0x86: {  	_ =	shalt  }
0x87: {  	_ =	shalt  }
.Lfunc_end0:
.L_simem_size_0:
called_computation_lowered:
.L_overlay_start_0:
0x88: {  	s2 =	sld [smem:$0x3FD9]  }
0x89: {  	s3 =	sld [smem:$0x3FFE];
	_ =	sdelay $0x1  }
0x8a: {  	s1 =	srdreg.scid  }
0x8b: {  	s0 =	sand.u32 $0x1, s1  }
0x8c: {  	s17 =	sshll.u32 s0, $0xA;
	s2 =	sadd.s32 s3, s2  }
0x8d: {  	s2 =	sadd.s32 s2, s17  }
0x8e: {  	[smem:$0x3FC4] =	sst s2  }
0x8f: {  	_ = 	snop  }
0x90: {  	s2 =	sld [smem:$0x3FD0];
	(tm) =	ssettm $0x1  }
0x91: {  	s18 =	sld [smem:$0x3FFB];
	_ =	sdelay $0x3  }
0x92: {  	_ =	strace s18  }
0x93: {  	s3 =	sld [smem:$0x3FFC];
	_ =	sdelay $0x3  }
0x94: {  	_ =	strace s3  }
0x95: {  	s3 =	sld [smem:$0x3FFD];
	_ =	sdelay $0x3  }
0x96: {  	_ =	strace s3  }
0x97: {  	_ =	strace $0x8FFFFFFF  }
0x98: {  	s19 =	sld [smem:$0x3FDB];
	_ =	sdelay $0x1  }
0x99: {  	s4 =	simm.s32 $_scs_section_size  }
0x9a: {  	s5 =	simm.s32 $_size__tile_overlayer_lowered;
	s6 =	simm.s32 $_tile_overlayer_lowered  }
0x9b: {  	s22 =	simm.s32 $0x1BFF;
	s21 =	sshll.u32 s6, $0x1;
	s3 =	sadd.s32 s4, s19  }
0x9c: {  	s7 =	simm.s32 $0x0;
	s20 =	sshll.u32 s5, $0x1;
	s5 =	sadd.s32 s21, s3  }
0x9d: {  	[timem:s7], [sflag:s22] =	dma.local [hbm:s5], s20  }
0x9e: {  	_ =	swait.ge [sflag:s22], s20  }
0x9f: {  	s4 =	ssub.s32 $0x0, s20;
	[sflag:s22] =	ssyncset.done $0x0  }
0xa0: {  	[sflag:s22] =	ssyncadd.s32 s4;
	_ =	sdelay $0x1  }
0xa1: {  	s23 =	simm.s32 $0x1B8B  }
0xa2: {  	_ =	swait.ge [sflag:s23], $0x1  }
0xa3: {  	[sflag:s23] =	ssyncset.done $0x0  }
0xa4: {  	s25 =	simm.s32 $0x1B8E;
	s24 =	sld [smem:$0x3FFE];
	[sflag:s23] =	ssyncadd.s32 $0xFFFFFFFF  }
0xa5: {  	s26 =	simm.s32 $execute0_lowered;
	[smem:$0x3FD2] =	sst s25  }
0xa6: {  	s5 =	sshll.u32 s26, $0x1;
	_ =	strace $0x80000046;
	[dreg:$0x1] =	wrdreg $0xFFFFFFFF  }
0xa7: {  	s28 =	simm.s32 $_size_execute0_lowered;
	s3 =	sadd.s32 s3, s5;
	[dreg:$0x0] =	wrdreg $0x0  }
0xa8: {  	s5 =	sshll.u32 s28, $0x1;
	[dreg:$0x2] =	wrdreg s3  }
0xa9: {  	[dreg:$0x3] =	wrdreg s5  }
0xaa: {  	[dreg:$0x4] =	wrdreg $0xC0  }
0xab: {  	_ =	task [dreg:s7], $0x5FFFF  }
0xac: {  	[dreg:$0x1] =	wrdreg $0xFFFFFFFF  }
0xad: {  	[dreg:$0x0] =	wrdreg $0x60  }
0xae: {  	[dreg:$0x2] =	wrdreg s2  }
0xaf: {  	[dreg:$0x3] =	wrdreg s24  }
0xb0: {  	[dreg:$0x4] =	wrdreg $0x2B000  }
0xb1: {  	[dreg:$0x5] =	wrdreg $0x9  }
0xb2: {  	_ =	task.clear_ibuf [dreg:s7], $0x6FFFF;
	_ =	strace $0x90000046  }
0xb3: {  	s29 =	simm.s32 $0x9;
	_ =	strace $0x80000048  }
0xb4: {  	_ =	swait.ge [sflag:s29], $0x1  }
0xb5: {  	[sflag:s29] =	ssyncadd.s32 $0xFFFFFFFF  }
0xb6: {  	_ =	strace $0x90000048  }
0xb7: {  	_ =	sfence  }
0xb8: {  	s30 =	sld [smem:$0x0];
	_ =	sdelay $0x2  }
0xb9: {  	s31 =	sshll.u32 s1, $0xD;
	s1 =	sshrl.u32 s1, $0x2  }
0xba: {  	s3 =	sand.u32 $0x4000, s31;
	s1 =	sadd.s32 s1, s30  }
0xbb: {  	s0 =	sor.u32 s3, s0;
	s1 =	sshll.u32 s1, $0x11  }
0xbc: {  	s0 =	sor.u32 s1, s0  }
0xbd: {  	s0 =	sadd.s32 $0x8F2B, s0  }
0xbe: {  	[sflag:s0] =	ssyncadd.remote.s32 $0x1  }
0xbf: {  	_ =	sfence.sel $0xFFFF  }
0xc0: {  	[dreg:$0x0] =	wrdreg $0xFFFFFFFF;
	(pc) =	sbr.abs _section_cstart, $3  }
0xc1: {  	[dreg:$0x1] =	wrdreg $0xFFFFFFFF  }
0xc2: {  	_ =	task.clear_ibuf [dreg:s7], $0x2FFFF;
	_ =	strace $0x9FFFFFFF  }
0xc3: {  	(tm) =	ssettm $0x7FFFFFFF  }
tec
execute0_lowered:
.L_overlay_start_1:
0x0: {  	(tag) =	ssettag $0x1  }
0x1: {  	s4 =	rddreg [dreg:$0x0]  }
0x2: {  	s5 =	rddreg [dreg:$0x1]  }
0x3: {  	s2 =	rddreg [dreg:$0x2];
	s3 =	srdreg.scid  }
0x4: {  	s0 =	rddreg [dreg:$0x3];
	s1 =	stileid.u32;
	s11 =	simm.s32 $0x2800  }
0x5: {  	s12 =	simm.s32 $0x1;
	s15 =	simm.s32 $0x20;
	s16 =	simm.s32 $0x10  }
0x6: {  	s17 =	simm.s32 $0x0;
	s6 =	sand.u32 $0x1, s3;
	s7 =	smul.u32 $0x500, s1  }
0x7: {  	s3 =	simm.s32 $0x0;
	s28 =	smul.u32 $0xA00, s1;
	s13 =	sshll.u32 s1, $0x6  }
0x8: {  	s8 =	sshll.u32 s6, $0x4;
	[smem:$0x7FF] =	sst s3;
	s9 =	sshll.u32 s6, $0x7  }
0x9: {  	s6 =	ssub.s32 $0x2, s6;
	s13 =	sor.u32 $0x1C02, s13;
	s8 =	sor.u32 s1, s8  }
0xa: {  	_ =	strace $0x80000047;
	s7 =	sor.u32 s9, s7;
	s29 =	sshrl.u32 s6, $0x1  }
0xb: {  	s30 =	sshrl.u32 s28, $0x2;
	s8 =	smul.u32 $0x2800, s8;
	s7 =	sshrl.u32 s7, $0x3  }
0xc: {  	s9 =	simm.s32 $0x2;
	s10 =	ssub.s32 s6, s29;
	s7 =	sadd.s32 s7, s5  }
0xd: {  	s8 =	sshrl.u32 s8, $0x3;
	s6 =	sadd.s32 $0x1C00, s7;
	s7 =	smax.u32 s10, $0x1  }
0xe: {  	s10 =	simm.s32 $0x80;
	s31 =	sadd.s32 s4, s8;
	s4 =	sadd.s32 s30, s2  }
0xf: {  	v0 =	vimm.f32 $1.000000000e+00;
	v1 =	vimm.f32 $0.0e+00;
	s8 =	simm.s32 $0x2880;
	s5 =	sadd.s32 $0xA000, s31;
	s14 =	sshrl.u32 s4, $0x3  }
.LBB2_1:
0x10: {  	[tilespmem:$0x2800] =	vst v0  }
0x11: {  	[tilespmem:$0x2810] =	vst v0  }
0x12: {  	[tilespmem:$0x2820] =	vst v0  }
0x13: {  	[tilespmem:$0x2830] =	vst v0  }
0x14: {  	[tilespmem:$0x2840] =	vst v0  }
0x15: {  	[tilespmem:$0x2850] =	vst v0  }
0x16: {  	[tilespmem:$0x2860] =	vst v0  }
0x17: {  	[tilespmem:$0x2870] =	vst v0  }
0x18: {  	[tilespmem:$0x2880] =	vst v1  }
0x19: {  	[tilespmem:$0x2890] =	vst v1  }
0x1a: {  	[tilespmem:$0x28A0] =	vst v1  }
0x1b: {  	[tilespmem:$0x28B0] =	vst v1  }
0x1c: {  	[tilespmem:$0x28C0] =	vst v1  }
0x1d: {  	[tilespmem:$0x28D0] =	vst v1  }
0x1e: {  	[tilespmem:$0x28E0] =	vst v1  }
0x1f: {  	[tilespmem:$0x28F0] =	vst v1  }
0x20: {  	[tilespmem:$0x2900] =	vst v1  }
0x21: {  	[tilespmem:$0x2910] =	vst v1  }
0x22: {  	[tilespmem:$0x2920] =	vst v1  }
0x23: {  	[tilespmem:$0x2930] =	vst v1  }
0x24: {  	[tilespmem:$0x2940] =	vst v1  }
0x25: {  	[tilespmem:$0x2950] =	vst v1  }
0x26: {  	[tilespmem:$0x2960] =	vst v1  }
0x27: {  	[tilespmem:$0x2970] =	vst v1  }
0x28: {  	[tilespmem:$0x2980] =	vst v1  }
0x29: {  	[tilespmem:$0x2990] =	vst v1  }
0x2a: {  	[tilespmem:$0x29A0] =	vst v1  }
0x2b: {  	[tilespmem:$0x29B0] =	vst v1  }
0x2c: {  	[tilespmem:$0x29C0] =	vst v1  }
0x2d: {  	[tilespmem:$0x29D0] =	vst v1  }
0x2e: {  	[tilespmem:$0x29E0] =	vst v1  }
0x2f: {  	[tilespmem:$0x29F0] =	vst v1  }
0x30: {  	[tilespmem:$0x2A00] =	vst v1  }
0x31: {  	[tilespmem:$0x2A10] =	vst v1  }
0x32: {  	[tilespmem:$0x2A20] =	vst v1  }
0x33: {  	[tilespmem:$0x2A30] =	vst v1  }
0x34: {  	[tilespmem:$0x2A40] =	vst v1  }
0x35: {  	[tilespmem:$0x2A50] =	vst v1  }
0x36: {  	[tilespmem:$0x2A60] =	vst v1  }
0x37: {  	[tilespmem:$0x2A70] =	vst v1  }
0x38: {  	[tilespmem:$0x2A80] =	vst v1  }
0x39: {  	[tilespmem:$0x2A90] =	vst v1  }
0x3a: {  	[tilespmem:$0x2AA0] =	vst v1  }
0x3b: {  	[tilespmem:$0x2AB0] =	vst v1  }
0x3c: {  	[tilespmem:$0x2AC0] =	vst v1  }
0x3d: {  	[tilespmem:$0x2AD0] =	vst v1  }
0x3e: {  	[tilespmem:$0x2AE0] =	vst v1  }
0x3f: {  	[tilespmem:$0x2AF0] =	vst v1  }
0x40: {  	[spmem:s4] =	stream.linear.scatter [tilespmem:s8], [sflag:$0x2], $0x280, $0x38;
	[tilespmem:$0x2D80] =	vst v63  }
0x41: {  	_ =	swait.ge [sflag:s9], $0x280  }
0x42: {  	[sflag:s9] =	ssyncset.done $0x0  }
0x43: {  	[sflag:s9] =	ssyncadd.s32 $0xFFFFFD80  }
0x44: {  	[tilespmem:s3], [sflag:$0x2] =	stream.linear.gather [hbm4b:s5+s3], $0x2800, $0x38;
	[tilespmem:$0x2D80] =	vst v63  }
0x45: {  	_ =	swait.ge [sflag:s9], $0x2800  }
0x46: {  	[sflag:s9] =	ssyncset.done $0x0  }
0x47: {  	p0 =	por $0x1, $0x1;
	[sflag:s9] =	ssyncadd.s32 $0xFFFFD800  }
0x48: {  	s20 =	simm.s32 @!p0 $0x1;
	[bflag:$0x0] =	sbarrier.arrive $0xFFFF  }
0x49: {  	[spmem:s2] =	stream.indirect.scatter.add.f32 [tilespmem:s11], [sflag:$0x1], $0x1, s3, s10, $0xb8;
	[tilespmem:$0x2D80] =	vst v63  }
0x4a: {  	_ =	swait.ge @!p0 [sflag:s20], $0x80  }
0x4b: {  	s18 =	simm.s32 $0x1;
	s19 =	simm.s32 $0x0;
	[sflag:s20] =	ssyncset.done @!p0 $0x0  }
.LBB2_2:
0x4c: {  	[sflag:s20] =	ssyncadd.s32 @!p0 $0xFFFFFF80  }
0x4d: {  	s19 =	sadd.s32 $0x80, s19;
	s20 =	smov.u32 s18;
	s18 =	sadd.s32 $0x1, s18  }
0x4e: {  	p1 =	sne.s32 s18, $0x50  }
0x4f: {  	[spmem:s2] =	stream.indirect.scatter.add.f32 [tilespmem:s11], [sflag:$0x1], $0x1, s19, s10, $0xb8;
	[tilespmem:$0x2D80] =	vst v63  }
.Ltmp0:
0x50: {  	_ = 	snop;
	(pc) =	sbr.rel @p1 .LBB2_2-.Ltmp0, $4  }
0x51: {  	p0 =	slt.u32 s20, $0x8  }
0x52: {  	s20 =	simm.s32 @!p0 $0x1  }
0x53: {  	_ =	swait.ge @!p0 [sflag:s20], $0x80  }
0x54: {  	[sflag:s20] =	ssyncset.done @!p0 $0x0  }
0x55: {  	[sflag:s20] =	ssyncadd.s32 @!p0 $0xFFFFFF80  }
0x56: {  	_ =	swait.ge [sflag:s12], $0x80  }
0x57: {  	[sflag:s12] =	ssyncset.done $0x0  }
0x58: {  	[sflag:s12] =	ssyncadd.s32 $0xFFFFFF80  }
0x59: {  	_ =	swait.ge [sflag:s12], $0x80  }
0x5a: {  	[sflag:s12] =	ssyncset.done $0x0  }
0x5b: {  	[sflag:s12] =	ssyncadd.s32 $0xFFFFFF80  }
0x5c: {  	_ =	swait.ge [sflag:s12], $0x80  }
0x5d: {  	[sflag:s12] =	ssyncset.done $0x0  }
0x5e: {  	[sflag:s12] =	ssyncadd.s32 $0xFFFFFF80  }
0x5f: {  	_ =	swait.ge [sflag:s12], $0x80  }
0x60: {  	[sflag:s12] =	ssyncset.done $0x0  }
0x61: {  	[sflag:s12] =	ssyncadd.s32 $0xFFFFFF80  }
0x62: {  	_ =	swait.ge [sflag:s12], $0x80  }
0x63: {  	[sflag:s12] =	ssyncset.done $0x0  }
0x64: {  	[sflag:s12] =	ssyncadd.s32 $0xFFFFFF80  }
0x65: {  	_ =	swait.ge [sflag:s12], $0x80  }
0x66: {  	[sflag:s12] =	ssyncset.done $0x0  }
0x67: {  	[sflag:s12] =	ssyncadd.s32 $0xFFFFFF80  }
0x68: {  	_ =	swait.ge [sflag:s12], $0x80  }
0x69: {  	[sflag:s12] =	ssyncset.done $0x0  }
0x6a: {  	[sflag:s12] =	ssyncadd.s32 $0xFFFFFF80  }
0x6b: {  	_ =	swait.ge [sflag:s12], $0x80  }
0x6c: {  	s17 =	sadd.s32 $0x1, s17;
	[sflag:s12] =	ssyncset.done $0x0  }
0x6d: {  	p0 =	sne.s32 s17, s7;
	[sflag:s12] =	ssyncadd.s32 $0xFFFFFF80  }
.Ltmp1:
0x6e: {  	[bflag:$0x0] =	sbarrier.arrive $0xFFFF;
	(pc) =	sbr.rel @p0 .LBB2_1-.Ltmp1, $4  }
0x6f: {  	[hbm:s6@s15], [sflag:s13] =	dma.strided [spmem:s14@s16], $0x50, s12, $0x10   }
0x70: {  	_ =	swait.ge [sflag:s9], $0x50  }
0x71: {  	[sflag:s9] =	ssyncset.done $0x0  }
0x72: {  	[sflag:s9] =	ssyncadd.s32 $0xFFFFFFB0  }
0x73: {  	_ =	sfence.sel $0x180000  }
0x74: {  	[bflag:$0x0] =	sbarrier.arrive $0xFFFF  }
0x75: {  	p0 =	sne.s32 s1, $0x0;
	_ =	strace $0x90000047  }
0x76: {  	s0 =	sadd.s32 @!p0 $0x100000, s0;
	[bflag:$0x2] =	sbarrier.arrive $0xFFFF  }
0x77: {  	[sflag:s0] =	ssyncadd.tile.s32 @!p0 $0x1;
	_ =	shalt  }
.Lfunc_end2:
_tile_overlayer_lowered:
.L_overlay_start_2:
0x78: {  	(tag) =	ssettag $0x2  }
0x79: {  	s0 =	rddreg [dreg:$0x0];
	s2 =	stileid.u32  }
0x7a: {  	s1 =	rddreg [dreg:$0x1];
	p0 =	sne.s32 s2, $0x0  }
0x7b: {  	s3 =	rddreg [dreg:$0x2];
	[bflag:$0x3] =	sbarrier.arrive $0xFFFF;
	s2 =	simm.s32 @!p0 $0x1C02  }
0x7c: {  	[timem:s3], [sflag:s2] =	dma.local @!p0 [hbm:s0], s1  }
0x7d: {  	s0 =	simm.s32 @!p0 $0x2  }
0x7e: {  	_ =	swait.ge @!p0 [sflag:s0], s1  }
0x7f: {  	s1 =	ssub.s32 @!p0 $0x0, s1;
	[sflag:s0] =	ssyncset.done @!p0 $0x0  }
0x80: {  	[sflag:s0] =	ssyncadd.s32 @!p0 s1  }
0x81: {  	[bflag:$0x3] =	sbarrier.arrive $0xFFFF  }
0x82: {  	_ =	shalt  }

// kernel: kernel.9.cloned.1.call-start
scs
__scs_entry_jumppad:
0x0: {  	(pc) =	sbr.rel $0x88, $3  }
0x1: {  	(tag) =	ssettag $0x0;
	lr =	simm.s32 $0x1  }
0x2: {  	[smem:$0x3F9D] =	sst lr;
	_ =	strace $0xD0000000  }
0x3: {  	_ = 	snop  }
0x4: {  	_ = 	snop  }
0x5: {  	_ = 	snop  }
0x6: {  	_ = 	snop  }
0x7: {  	_ = 	snop  }
__scs_overlays_trampoline_lowered:
0x8: {  	[smem:$0x3FAC] =	sst s0  }
0x9: {  	[smem:$0x3FAD] =	sst s1  }
0xa: {  	[smem:$0x3FAE] =	sst s2  }
0xb: {  	[smem:$0x3FAF] =	sst s3  }
0xc: {  	[smem:$0x3FB0] =	sst s4  }
0xd: {  	[smem:$0x3FB1] =	sst s5  }
0xe: {  	[smem:$0x3FB2] =	sst s6  }
0xf: {  	[smem:$0x3FB3] =	sst s7  }
0x10: {  	[smem:$0x3FB4] =	sst s8  }
0x11: {  	[smem:$0x3FB5] =	sst s9;
	s0 =	simm.s32 @!p0 $0x0  }
0x12: {  	s1 =	sld [smem:$0x3F9B];
	s0 =	simm.s32 @p0 $0x1  }
0x13: {  	[smem:$0x3FB6] =	sst s0;
	s0 =	simm.s32 @!p1 $0x0  }
0x14: {  	s2 =	sld [smem:$0x3F9A];
	s0 =	simm.s32 @p1 $0x1  }
0x15: {  	[smem:$0x3FB7] =	sst s0;
	s0 =	simm.s32 @!p2 $0x0  }
0x16: {  	s3 =	sld [smem:$0x3FDB];
	s0 =	simm.s32 @p2 $0x1  }
0x17: {  	s4 =	simm.s32 $0x1BF5;
	[smem:$0x3FB9] =	sst s0  }
0x18: {  	s0 =	sld [smem:$0x3F9C];
	_ =	swait.ge [sflag:s4], $0x0  }
0x19: {  	s7 =	sld [smem:$0x3F9D]  }
0x1a: {  	s8 =	sadd.s32 $0xFFFFE003, lr  }
0x1b: {  	s9 =	sadd.s32 $0xFFFFFEF7, lr;
	s5 =	simm.s32 $0xFFFFFFFF;
	p2 =	slt.u32 s8, $0xFFFFF086  }
0x1c: {  	p1 =	slt.u32 s9, $0xF7A;
	s5 =	simm.s32 @!p2 $0x0  }
0x1d: {  	s5 =	simm.s32 @p1 $0x1;
	p0 =	seq.s32 s7, s2  }
0x1e: {  	s7 =	smul.u32 @!p0 $0xF7A, s2;
	p2 =	seq.s32 @!p0 s5, $0x0  }
0x1f: {  	s9 =	smul.u32 $0xF7A, s1;
	s8 =	simm.s32 @!p0 $0x1BF5;
	p2 =	por !p2, p0  }
0x20: {  	[sflag:s8] =	ssyncset.s32 @!p0 $0xFFFFF086;
	s6 =	sadd.s32 @!p0 s3, s7;
	s7 =	simm.s32 @!p0 $0x108  }
0x21: {  	s3 =	sadd.s32 s3, s9;
	s6 =	sadd.s32 @!p0 $0x88, s6;
	s7 =	simm.s32 @p2 $0x1082  }
0x22: {  	[simem:s7], [sflag:s8] =	dma.local @!p0 [hbm:s6], $0xF7A  }
0x23: {  	s9 =	sor.u32 $0xD0000000, s2;
	s6 =	simm.s32 $0x108;
	_ =	swait.ge @!p0 [sflag:s8], $0x0  }
0x24: {  	s3 =	sadd.s32 $0x88, s3;
	s6 =	simm.s32 @!p1 $0x1082;
	[sflag:s4] =	ssyncset.s32 $0xFFFFF086  }
0x25: {  	[simem:s6], [sflag:s4] =	dma.local [hbm:s3], $0xF7A  }
0x26: {  	[smem:$0x3F9D] =	sst s1;
	(tag) =	ssettag s2;
	_ =	strace s9  }
0x27: {  	s1 =	sld [smem:$0x3FAD]  }
0x28: {  	s2 =	sld [smem:$0x3FAE]  }
0x29: {  	s4 =	sld [smem:$0x3FB0]  }
0x2a: {  	p0 =	seq.s32 s5, $0x0;
	s5 =	sld [smem:$0x3FB1]  }
0x2b: {  	s6 =	sld [smem:$0x3FB2]  }
0x2c: {  	s7 =	sld [smem:$0x3FB3]  }
0x2d: {  	s3 =	simm.s32 $0x108;
	s8 =	sld [smem:$0x3FB4]  }
0x2e: {  	s3 =	simm.s32 @!p0 $0x1082;
	s9 =	sld [smem:$0x3FB5]  }
0x2f: {  	lr =	sadd.s32 s0, s3;
	s0 =	sld [smem:$0x3FAC]  }
0x30: {  	s3 =	sld [smem:$0x3FAF]  }
0x31: {  	[smem:$0x3FB8] =	sst s10  }
0x32: {  	s10 =	sld [smem:$0x3FB6];
	_ =	sdelay $0x3  }
0x33: {  	p0 =	seq.s32 s10, $0x1;
	s10 =	sld [smem:$0x3FB8];
	_ =	sdelay $0x3  }
0x34: {  	[smem:$0x3FB8] =	sst s10  }
0x35: {  	s10 =	sld [smem:$0x3FB7];
	_ =	sdelay $0x3  }
0x36: {  	p1 =	seq.s32 s10, $0x1;
	s10 =	sld [smem:$0x3FB8];
	_ =	sdelay $0x3  }
0x37: {  	[smem:$0x3FB8] =	sst s10  }
0x38: {  	s10 =	sld [smem:$0x3FB9]  }
0x39: {  	_ = 	snop;
	(pc) =	sbr.ind lr, $3  }
0x3a: {  	_ = 	snop  }
0x3b: {  	_ = 	snop  }
0x3c: {  	p2 =	seq.s32 s10, $0x1;
	s10 =	sld [smem:$0x3FB8]  }
0x3d: {  	_ =	shalt  }
0x3e: {  	_ =	shalt  }
0x3f: {  	_ =	shalt  }
0x40: {  	_ =	shalt  }
0x41: {  	_ =	shalt  }
0x42: {  	_ =	shalt  }
0x43: {  	_ =	shalt  }
0x44: {  	_ =	shalt  }
0x45: {  	_ =	shalt  }
0x46: {  	_ =	shalt  }
0x47: {  	_ =	shalt  }
0x48: {  	_ =	shalt  }
0x49: {  	_ =	shalt  }
0x4a: {  	_ =	shalt  }
0x4b: {  	_ =	shalt  }
0x4c: {  	_ =	shalt  }
0x4d: {  	_ =	shalt  }
0x4e: {  	_ =	shalt  }
0x4f: {  	_ =	shalt  }
0x50: {  	_ =	shalt  }
0x51: {  	_ =	shalt  }
0x52: {  	_ =	shalt  }
0x53: {  	_ =	shalt  }
0x54: {  	_ =	shalt  }
0x55: {  	_ =	shalt  }
0x56: {  	_ =	shalt  }
0x57: {  	_ =	shalt  }
0x58: {  	_ =	shalt  }
0x59: {  	_ =	shalt  }
0x5a: {  	_ =	shalt  }
0x5b: {  	_ =	shalt  }
0x5c: {  	_ =	shalt  }
0x5d: {  	_ =	shalt  }
0x5e: {  	_ =	shalt  }
0x5f: {  	_ =	shalt  }
0x60: {  	_ =	shalt  }
0x61: {  	_ =	shalt  }
0x62: {  	_ =	shalt  }
0x63: {  	_ =	shalt  }
0x64: {  	_ =	shalt  }
0x65: {  	_ =	shalt  }
0x66: {  	_ =	shalt  }
0x67: {  	_ =	shalt  }
0x68: {  	_ =	shalt  }
0x69: {  	_ =	shalt  }
0x6a: {  	_ =	shalt  }
0x6b: {  	_ =	shalt  }
0x6c: {  	_ =	shalt  }
0x6d: {  	_ =	shalt  }
0x6e: {  	_ =	shalt  }
0x6f: {  	_ =	shalt  }
0x70: {  	_ =	shalt  }
0x71: {  	_ =	shalt  }
0x72: {  	_ =	shalt  }
0x73: {  	_ =	shalt  }
0x74: {  	_ =	shalt  }
0x75: {  	_ =	shalt  }
0x76: {  	_ =	shalt  }
0x77: {  	_ =	shalt  }
0x78: {  	_ =	shalt  }
0x79: {  	_ =	shalt  }
0x7a: {  	_ =	shalt  }
0x7b: {  	_ =	shalt  }
0x7c: {  	_ =	shalt  }
0x7d: {  	_ =	shalt  }
0x7e: {  	_ =	shalt  }
0x7f: {  	_ =	shalt  }
0x80: {  	_ =	shalt  }
0x81: {  	_ =	shalt  }
0x82: {  	_ =	shalt  }
0x83: {  	_ =	shalt  }
0x84: {  	_ =	shalt  }
0x85: {  	_ =	shalt  }
0x86: {  	_ =	shalt  }
0x87: {  	_ =	shalt  }
.Lfunc_end0:
.L_simem_size_0:
called_computation.1_lowered:
.L_overlay_start_0:
0x88: {  	s2 =	sld [smem:$0x3FD9]  }
0x89: {  	s3 =	sld [smem:$0x3FFE];
	_ =	sdelay $0x1  }
0x8a: {  	s1 =	srdreg.scid  }
0x8b: {  	s0 =	sand.u32 $0x1, s1  }
0x8c: {  	s17 =	sshll.u32 s0, $0xA;
	s2 =	sadd.s32 s3, s2  }
0x8d: {  	s2 =	sadd.s32 s2, s17  }
0x8e: {  	[smem:$0x3FC4] =	sst s2  }
0x8f: {  	_ = 	snop  }
0x90: {  	s2 =	sld [smem:$0x3FD0];
	(tm) =	ssettm $0x1  }
0x91: {  	s18 =	sld [smem:$0x3FFB];
	_ =	sdelay $0x3  }
0x92: {  	_ =	strace s18  }
0x93: {  	s3 =	sld [smem:$0x3FFC];
	_ =	sdelay $0x3  }
0x94: {  	_ =	strace s3  }
0x95: {  	s3 =	sld [smem:$0x3FFD];
	_ =	sdelay $0x3  }
0x96: {  	_ =	strace s3  }
0x97: {  	_ =	strace $0x8FFFFFFF  }
0x98: {  	s19 =	sld [smem:$0x3FDB];
	_ =	sdelay $0x1  }
0x99: {  	s4 =	simm.s32 $_scs_section_size  }
0x9a: {  	s5 =	simm.s32 $_size__tile_overlayer_lowered;
	s6 =	simm.s32 $_tile_overlayer_lowered  }
0x9b: {  	s22 =	simm.s32 $0x1BFF;
	s21 =	sshll.u32 s6, $0x1;
	s3 =	sadd.s32 s4, s19  }
0x9c: {  	s7 =	simm.s32 $0x0;
	s20 =	sshll.u32 s5, $0x1;
	s5 =	sadd.s32 s21, s3  }
0x9d: {  	[timem:s7], [sflag:s22] =	dma.local [hbm:s5], s20  }
0x9e: {  	_ =	swait.ge [sflag:s22], s20  }
0x9f: {  	s4 =	ssub.s32 $0x0, s20;
	[sflag:s22] =	ssyncset.done $0x0  }
0xa0: {  	[sflag:s22] =	ssyncadd.s32 s4;
	_ =	sdelay $0x1  }
0xa1: {  	s23 =	simm.s32 $0x1B8B  }
0xa2: {  	_ =	swait.ge [sflag:s23], $0x1  }
0xa3: {  	[sflag:s23] =	ssyncset.done $0x0  }
0xa4: {  	s25 =	simm.s32 $0x1B8E;
	s24 =	sld [smem:$0x3FFE];
	[sflag:s23] =	ssyncadd.s32 $0xFFFFFFFF  }
0xa5: {  	s26 =	simm.s32 $execute0_lowered;
	[smem:$0x3FD2] =	sst s25  }
0xa6: {  	s5 =	sshll.u32 s26, $0x1;
	_ =	strace $0x80000049;
	[dreg:$0x1] =	wrdreg $0xFFFFFFFF  }
0xa7: {  	s28 =	simm.s32 $_size_execute0_lowered;
	s3 =	sadd.s32 s3, s5;
	[dreg:$0x0] =	wrdreg $0x0  }
0xa8: {  	s5 =	sshll.u32 s28, $0x1;
	[dreg:$0x2] =	wrdreg s3  }
0xa9: {  	[dreg:$0x3] =	wrdreg s5  }
0xaa: {  	[dreg:$0x4] =	wrdreg $0xC0  }
0xab: {  	_ =	task [dreg:s7], $0x5FFFF  }
0xac: {  	[dreg:$0x1] =	wrdreg $0xFFFFFFFF  }
0xad: {  	[dreg:$0x0] =	wrdreg $0x60  }
0xae: {  	[dreg:$0x2] =	wrdreg s2  }
0xaf: {  	[dreg:$0x3] =	wrdreg s24  }
0xb0: {  	[dreg:$0x4] =	wrdreg $0xA8000  }
0xb1: {  	[dreg:$0x5] =	wrdreg $0x9  }
0xb2: {  	_ =	task.clear_ibuf [dreg:s7], $0x6FFFF;
	_ =	strace $0x90000049  }
0xb3: {  	s29 =	simm.s32 $0x9;
	_ =	strace $0x8000004B  }
0xb4: {  	_ =	swait.ge [sflag:s29], $0x1  }
0xb5: {  	[sflag:s29] =	ssyncadd.s32 $0xFFFFFFFF  }
0xb6: {  	_ =	strace $0x9000004B  }
0xb7: {  	_ =	sfence  }
0xb8: {  	s30 =	sld [smem:$0x0];
	_ =	sdelay $0x2  }
0xb9: {  	s31 =	sshll.u32 s1, $0xD;
	s1 =	sshrl.u32 s1, $0x2  }
0xba: {  	s3 =	sand.u32 $0x4000, s31;
	s1 =	sadd.s32 s1, s30  }
0xbb: {  	s0 =	sor.u32 s3, s0;
	s1 =	sshll.u32 s1, $0x11  }
0xbc: {  	s0 =	sor.u32 s1, s0  }
0xbd: {  	s0 =	sadd.s32 $0x8F2B, s0  }
0xbe: {  	[sflag:s0] =	ssyncadd.remote.s32 $0x1  }
0xbf: {  	_ =	sfence.sel $0xFFFF  }
0xc0: {  	[dreg:$0x0] =	wrdreg $0xFFFFFFFF;
	(pc) =	sbr.abs _section_cstart, $3  }
0xc1: {  	[dreg:$0x1] =	wrdreg $0xFFFFFFFF  }
0xc2: {  	_ =	task.clear_ibuf [dreg:s7], $0x2FFFF;
	_ =	strace $0x9FFFFFFF  }
0xc3: {  	(tm) =	ssettm $0x7FFFFFFF  }
tec
execute0_lowered:
.L_overlay_start_1:
0x0: {  	(tag) =	ssettag $0x1  }
0x1: {  	s5 =	rddreg [dreg:$0x0]  }
0x2: {  	s6 =	rddreg [dreg:$0x1]  }
0x3: {  	s2 =	rddreg [dreg:$0x2]  }
0x4: {  	s1 =	srdreg.scid;
	s0 =	rddreg [dreg:$0x3]  }
0x5: {  	s3 =	simm.s32 $0x0;
	s16 =	simm.s32 $0x2800;
	s17 =	simm.s32 $0x3  }
0x6: {  	s18 =	simm.s32 $0x1400;
	s19 =	simm.s32 $0x80;
	s20 =	simm.s32 $0x1  }
0x7: {  	s21 =	simm.s32 $0x6800;
	s22 =	simm.s32 $0x1480;
	s23 =	simm.s32 $0x2  }
0x8: {  	s24 =	simm.s32 $0x100;
	s7 =	sand.u32 $0x1, s1;
	s1 =	stileid.u32  }
0x9: {  	s25 =	simm.s32 $0x0;
	[smem:$0x7FF] =	sst s3;
	s4 =	smul.u32 $0x140000, s7  }
0xa: {  	s8 =	smul.u32 $0x14000, s1;
	s9 =	sshll.u32 s7, $0x4;
	_ =	strace $0x8000004A  }
0xb: {  	s10 =	smul.u32 $0x50000, s1;
	s28 =	ssub.s32 $0x2, s7;
	s9 =	sor.u32 s1, s9  }
0xc: {  	s30 =	sshrl.u32 s28, $0x1;
	s8 =	sadd.s32 s8, s4;
	s9 =	smul.u32 $0x2800, s9  }
0xd: {  	s4 =	sadd.s32 $0x1C00, s6;
	s31 =	sshrl.u32 s10, $0x2;
	s12 =	ssub.s32 s28, s30  }
.Ltmp0:
0xe: {  	s8 =	sshrl.u32 s8, $0x3;
	s29 =	sshrl.u32 s9, $0x3;
	(pc) =	sbr.rel .LBB2_1-.Ltmp0, $4  }
0xf: {  	s11 =	sadd.s32 s8, s6;
	s6 =	sadd.s32 s31, s2;
	s5 =	sadd.s32 s5, s29  }
0x10: {  	s10 =	sadd.s32 $0x29C00, s11;
	s11 =	smax.u32 s12, $0x1;
	s12 =	sadd.s32 $0x4000, s6  }
0x11: {  	s13 =	sadd.s32 $0x8000, s6;
	s14 =	sadd.s32 $0xC000, s6;
	s15 =	sadd.s32 $0x10000, s6  }
0x12: {  	v0 =	vimm.f32 $0.0e+00;
	s7 =	sadd.s32 $0xA000, s5;
	s8 =	sadd.s32 $0x280, s5;
	s9 =	sadd.s32 $0xA280, s5  }
.LBB2_9:
0x13: {  	_ =	swait.ge [sflag:s23], $0x4000  }
0x14: {  	s26 =	sshll.u32 s1, $0x6;
	s25 =	sadd.s32 $0x1, s25;
	[sflag:s23] =	ssyncset.done $0x0  }
0x15: {  	s28 =	sshrl.u32 s6, $0x3;
	p0 =	sne.s32 s25, s11;
	[sflag:s23] =	ssyncadd.s32 $0xFFFFC000  }
.Ltmp1:
0x16: {  	s26 =	sor.u32 $0x1C03, s26;
	[bflag:$0x0] =	sbarrier.arrive $0xFFFF;
	(pc) =	sbr.rel @!p0 .LBB2_10-.Ltmp1, $4  }
0x17: {  	[hbm:s10], [sflag:s26] =	dma.local [spmem:s28], $0x2800  }
0x18: {  	_ =	swait.ge [sflag:s17], $0x2800  }
0x19: {  	[sflag:s17] =	ssyncset.done $0x0  }
0x1a: {  	[sflag:s17] =	ssyncadd.s32 $0xFFFFD800  }
.LBB2_1:
0x1b: {  	s26 =	sand.u32 $0xFE00, s3  }
0x1c: {  	s28 =	sand.u32 $0x70, s3;
	s29 =	sshrl.u32 s26, $0x2  }
0x1d: {  	s26 =	simm.s32 $0x40;
	s29 =	sor.u32 s28, s29;
	s28 =	simm.s32 $0x0  }
.LBB2_2:
0x1e: {  	p0 =	sne.s32 s26, $0xFFC0  }
0x1f: {  	[tilespmem:s29+$0x2800] =	vst v0;
	s28 =	sadd.s32 $0x10, s28;
	s29 =	smov.u32 s26;
	s26 =	sadd.s32 $0x40, s26  }
.Ltmp2:
0x20: {  	(pc) =	sbr.rel @p0 .LBB2_2-.Ltmp2, $4  }
0x21: {  	_ = 	snop  }
0x22: {  	s29 =	sand.u32 $0xFE00, s29  }
0x23: {  	s30 =	sand.u32 $0x70, s28;
	s29 =	sshrl.u32 s29, $0x2  }
0x24: {  	s29 =	sor.u32 s30, s29  }
0x25: {  	[tilespmem:s29+$0x2800] =	vst v0  }
0x26: {  	[spmem:s6] =	stream.linear.scatter [tilespmem:s16], [sflag:$0x3], $0x4000, $0x38;
	[tilespmem:$0x1E800] =	vst v63  }
0x27: {  	_ =	swait.ge [sflag:s17], $0x4000  }
0x28: {  	[sflag:s17] =	ssyncset.done $0x0  }
0x29: {  	[sflag:s17] =	ssyncadd.s32 $0xFFFFC000  }
0x2a: {  	[spmem:s12] =	stream.linear.scatter [tilespmem:s16], [sflag:$0x3], $0x4000, $0x38;
	[tilespmem:$0x1E800] =	vst v63  }
0x2b: {  	_ =	swait.ge [sflag:s17], $0x4000  }
0x2c: {  	[sflag:s17] =	ssyncset.done $0x0  }
0x2d: {  	[sflag:s17] =	ssyncadd.s32 $0xFFFFC000  }
0x2e: {  	[spmem:s13] =	stream.linear.scatter [tilespmem:s16], [sflag:$0x3], $0x4000, $0x38;
	[tilespmem:$0x1E800] =	vst v63  }
0x2f: {  	_ =	swait.ge [sflag:s17], $0x4000  }
0x30: {  	[sflag:s17] =	ssyncset.done $0x0  }
0x31: {  	[sflag:s17] =	ssyncadd.s32 $0xFFFFC000  }
0x32: {  	[spmem:s14] =	stream.linear.scatter [tilespmem:s16], [sflag:$0x3], $0x4000, $0x38;
	[tilespmem:$0x1E800] =	vst v63  }
0x33: {  	_ =	swait.ge [sflag:s17], $0x4000  }
0x34: {  	[sflag:s17] =	ssyncset.done $0x0  }
0x35: {  	[sflag:s17] =	ssyncadd.s32 $0xFFFFC000  }
0x36: {  	[spmem:s15] =	stream.linear.scatter [tilespmem:s16], [sflag:$0x3], $0x4000, $0x38;
	[tilespmem:$0x1E800] =	vst v63  }
0x37: {  	_ =	swait.ge [sflag:s17], $0x4000  }
0x38: {  	[sflag:s17] =	ssyncset.done $0x0  }
0x39: {  	[sflag:s17] =	ssyncadd.s32 $0xFFFFC000  }
0x3a: {  	[bflag:$0x0] =	sbarrier.arrive $0xFFFF  }
0x3b: {  	[tilespmem:s3], [sflag:$0x3] =	stream.linear.gather [hbm4b:s5+s3], $0x1400, $0x38;
	[tilespmem:$0x1E800] =	vst v63  }
0x3c: {  	_ =	swait.ge [sflag:s17], $0x1400  }
0x3d: {  	[sflag:s17] =	ssyncset.done $0x0  }
0x3e: {  	[sflag:s17] =	ssyncadd.s32 $0xFFFFEC00  }
0x3f: {  	[tilespmem:s18], [sflag:$0x3] =	stream.linear.gather [hbm4b:s7+s3], $0x1400, $0x38;
	[tilespmem:$0x1E800] =	vst v63  }
0x40: {  	_ =	swait.ge [sflag:s17], $0x1400  }
0x41: {  	[sflag:s17] =	ssyncset.done $0x0  }
0x42: {  	[sflag:s17] =	ssyncadd.s32 $0xFFFFEC00  }
0x43: {  	[tilespmem:s16], [sflag:$0x1] =	stream.indirect.gather [hbm4b:s4+s19], $0x80, s3, s19, $0xb8;
	[tilespmem:$0x1E800] =	vst v63  }
0x44: {  	_ =	swait.ge [sflag:s20], $0x4000  }
0x45: {  	[sflag:s20] =	ssyncset.done $0x0  }
0x46: {  	[sflag:s20] =	ssyncadd.s32 $0xFFFFC000  }
0x47: {  	[spmem:s2] =	stream.indirect.scatter.add.f32 [tilespmem:s16], [sflag:$0x2], $0x80, s18, s19, $0xb8;
	[tilespmem:$0x1E800] =	vst v63  }
0x48: {  	_ = 	snop  }
0x49: {  	[tilespmem:s21], [sflag:$0x1] =	stream.indirect.gather [hbm4b:s4+s19], $0x80, s19, s19, $0xb8;
	[tilespmem:$0x1E800] =	vst v63  }
0x4a: {  	_ =	swait.ge [sflag:s20], $0x4000  }
0x4b: {  	[sflag:s20] =	ssyncset.done $0x0  }
0x4c: {  	[sflag:s20] =	ssyncadd.s32 $0xFFFFC000  }
0x4d: {  	[spmem:s2] =	stream.indirect.scatter.add.f32 [tilespmem:s21], [sflag:$0x2], $0x80, s22, s19, $0xb8;
	[tilespmem:$0x1E800] =	vst v63  }
0x4e: {  	_ =	swait.ge [sflag:s23], $0x4000  }
0x4f: {  	[sflag:s23] =	ssyncset.done $0x0  }
0x50: {  	s26 =	simm.s32 $0xFFFFB800;
	[sflag:s23] =	ssyncadd.s32 $0xFFFFC000  }
0x51: {  	[tilespmem:s16], [sflag:$0x1] =	stream.indirect.gather [hbm4b:s4+s19], $0x80, s24, s19, $0xb8;
	[tilespmem:$0x1E800] =	vst v63  }
.LBB2_4:
0x52: {  	_ =	swait.ge [sflag:s20], $0x4000  }
0x53: {  	s28 =	sshra.s32 s26, $0x2;
	[sflag:s20] =	ssyncset.done $0x0  }
0x54: {  	s29 =	sadd.s32 $0x2700, s28;
	[sflag:s20] =	ssyncadd.s32 $0xFFFFC000  }
0x55: {  	[spmem:s2] =	stream.indirect.scatter.add.f32 [tilespmem:s16], [sflag:$0x2], $0x80, s29, s19, $0xb8;
	[tilespmem:$0x1E800] =	vst v63  }
0x56: {  	_ =	swait.ge [sflag:s23], $0x4000  }
0x57: {  	[sflag:s23] =	ssyncset.done $0x0  }
0x58: {  	s30 =	sadd.s32 $0x1380, s28;
	[sflag:s23] =	ssyncadd.s32 $0xFFFFC000  }
0x59: {  	[tilespmem:s21], [sflag:$0x1] =	stream.indirect.gather [hbm4b:s4+s19], $0x80, s30, s19, $0xb8;
	[tilespmem:$0x1E800] =	vst v63  }
0x5a: {  	_ =	swait.ge [sflag:s20], $0x4000  }
0x5b: {  	p0 =	seq.s32 s26, $0x0;
	[sflag:s20] =	ssyncset.done $0x0  }
.Ltmp3:
0x5c: {  	s31 =	sadd.s32 $0x2780, s28;
	[sflag:s20] =	ssyncadd.s32 $0xFFFFC000;
	(pc) =	sbr.rel @p0 .LBB2_6-.Ltmp3, $4  }
0x5d: {  	[spmem:s2] =	stream.indirect.scatter.add.f32 [tilespmem:s21], [sflag:$0x2], $0x80, s31, s19, $0xb8;
	[tilespmem:$0x1E800] =	vst v63  }
0x5e: {  	_ =	swait.ge [sflag:s23], $0x4000  }
0x5f: {  	[sflag:s23] =	ssyncset.done $0x0  }
0x60: {  	[sflag:s23] =	ssyncadd.s32 $0xFFFFC000  }
.Ltmp4:
0x61: {  	(pc) =	sbr.rel .LBB2_4-.Ltmp4, $3  }
0x62: {  	_ =	sdelay $0x1  }
0x63: {  	s28 =	sadd.s32 $0x1400, s28;
	s26 =	sadd.s32 $0x400, s26  }
0x64: {  	[tilespmem:s16], [sflag:$0x1] =	stream.indirect.gather [hbm4b:s4+s19], $0x80, s28, s19, $0xb8;
	[tilespmem:$0x1E800] =	vst v63  }
.LBB2_6:
0x65: {  	_ =	swait.ge [sflag:s23], $0x4000  }
0x66: {  	[sflag:s23] =	ssyncset.done $0x0  }
0x67: {  	[sflag:s23] =	ssyncadd.s32 $0xFFFFC000  }
0x68: {  	[tilespmem:s3], [sflag:$0x3] =	stream.linear.gather [hbm4b:s8+s3], $0x1400, $0x38;
	[tilespmem:$0x1E800] =	vst v63  }
0x69: {  	_ =	swait.ge [sflag:s17], $0x1400  }
0x6a: {  	[sflag:s17] =	ssyncset.done $0x0  }
0x6b: {  	[sflag:s17] =	ssyncadd.s32 $0xFFFFEC00  }
0x6c: {  	[tilespmem:s18], [sflag:$0x3] =	stream.linear.gather [hbm4b:s9+s3], $0x1400, $0x38;
	[tilespmem:$0x1E800] =	vst v63  }
0x6d: {  	_ =	swait.ge [sflag:s17], $0x1400  }
0x6e: {  	[sflag:s17] =	ssyncset.done $0x0  }
0x6f: {  	[sflag:s17] =	ssyncadd.s32 $0xFFFFEC00  }
0x70: {  	[tilespmem:s16], [sflag:$0x1] =	stream.indirect.gather [hbm4b:s4+s19], $0x80, s3, s19, $0xb8;
	[tilespmem:$0x1E800] =	vst v63  }
0x71: {  	_ =	swait.ge [sflag:s20], $0x4000  }
0x72: {  	[sflag:s20] =	ssyncset.done $0x0  }
0x73: {  	[sflag:s20] =	ssyncadd.s32 $0xFFFFC000  }
0x74: {  	[spmem:s2] =	stream.indirect.scatter.add.f32 [tilespmem:s16], [sflag:$0x2], $0x80, s18, s19, $0xb8;
	[tilespmem:$0x1E800] =	vst v63  }
0x75: {  	_ = 	snop  }
0x76: {  	[tilespmem:s21], [sflag:$0x1] =	stream.indirect.gather [hbm4b:s4+s19], $0x80, s19, s19, $0xb8;
	[tilespmem:$0x1E800] =	vst v63  }
0x77: {  	_ =	swait.ge [sflag:s20], $0x4000  }
0x78: {  	[sflag:s20] =	ssyncset.done $0x0  }
0x79: {  	[sflag:s20] =	ssyncadd.s32 $0xFFFFC000  }
0x7a: {  	[spmem:s2] =	stream.indirect.scatter.add.f32 [tilespmem:s21], [sflag:$0x2], $0x80, s22, s19, $0xb8;
	[tilespmem:$0x1E800] =	vst v63  }
0x7b: {  	_ =	swait.ge [sflag:s23], $0x4000  }
0x7c: {  	[sflag:s23] =	ssyncset.done $0x0  }
0x7d: {  	s26 =	simm.s32 $0xFFFFB800;
	[sflag:s23] =	ssyncadd.s32 $0xFFFFC000  }
0x7e: {  	[tilespmem:s16], [sflag:$0x1] =	stream.indirect.gather [hbm4b:s4+s19], $0x80, s24, s19, $0xb8;
	[tilespmem:$0x1E800] =	vst v63  }
.LBB2_7:
0x7f: {  	_ =	swait.ge [sflag:s20], $0x4000  }
0x80: {  	s28 =	sshra.s32 s26, $0x2;
	[sflag:s20] =	ssyncset.done $0x0  }
0x81: {  	s29 =	sadd.s32 $0x2700, s28;
	[sflag:s20] =	ssyncadd.s32 $0xFFFFC000  }
0x82: {  	[spmem:s2] =	stream.indirect.scatter.add.f32 [tilespmem:s16], [sflag:$0x2], $0x80, s29, s19, $0xb8;
	[tilespmem:$0x1E800] =	vst v63  }
0x83: {  	_ =	swait.ge [sflag:s23], $0x4000  }
0x84: {  	[sflag:s23] =	ssyncset.done $0x0  }
0x85: {  	s30 =	sadd.s32 $0x1380, s28;
	[sflag:s23] =	ssyncadd.s32 $0xFFFFC000  }
0x86: {  	[tilespmem:s21], [sflag:$0x1] =	stream.indirect.gather [hbm4b:s4+s19], $0x80, s30, s19, $0xb8;
	[tilespmem:$0x1E800] =	vst v63  }
0x87: {  	_ =	swait.ge [sflag:s20], $0x4000  }
0x88: {  	p0 =	seq.s32 s26, $0x0;
	[sflag:s20] =	ssyncset.done $0x0  }
.Ltmp5:
0x89: {  	s31 =	sadd.s32 $0x2780, s28;
	[sflag:s20] =	ssyncadd.s32 $0xFFFFC000;
	(pc) =	sbr.rel @p0 .LBB2_9-.Ltmp5, $4  }
0x8a: {  	[spmem:s2] =	stream.indirect.scatter.add.f32 [tilespmem:s21], [sflag:$0x2], $0x80, s31, s19, $0xb8;
	[tilespmem:$0x1E800] =	vst v63  }
0x8b: {  	_ =	swait.ge [sflag:s23], $0x4000  }
0x8c: {  	[sflag:s23] =	ssyncset.done $0x0  }
0x8d: {  	[sflag:s23] =	ssyncadd.s32 $0xFFFFC000  }
.Ltmp6:
0x8e: {  	(pc) =	sbr.rel .LBB2_7-.Ltmp6, $3  }
0x8f: {  	_ =	sdelay $0x1  }
0x90: {  	s28 =	sadd.s32 $0x1400, s28;
	s26 =	sadd.s32 $0x400, s26  }
0x91: {  	[tilespmem:s16], [sflag:$0x1] =	stream.indirect.gather [hbm4b:s4+s19], $0x80, s28, s19, $0xb8;
	[tilespmem:$0x1E800] =	vst v63  }
.LBB2_10:
0x92: {  	_ =	sfence.sel $0x180000  }
0x93: {  	[bflag:$0x0] =	sbarrier.arrive $0xFFFF  }
0x94: {  	p0 =	sne.s32 s1, $0x0;
	_ =	strace $0x9000004A  }
0x95: {  	s0 =	sadd.s32 @!p0 $0x100000, s0;
	[bflag:$0x2] =	sbarrier.arrive $0xFFFF  }
0x96: {  	[sflag:s0] =	ssyncadd.tile.s32 @!p0 $0x1;
	_ =	shalt  }
.Lfunc_end2:
_tile_overlayer_lowered:
.L_overlay_start_2:
0x97: {  	(tag) =	ssettag $0x2  }
0x98: {  	s0 =	rddreg [dreg:$0x0];
	s2 =	stileid.u32  }
0x99: {  	s1 =	rddreg [dreg:$0x1];
	p0 =	sne.s32 s2, $0x0  }
0x9a: {  	s3 =	rddreg [dreg:$0x2];
	[bflag:$0x3] =	sbarrier.arrive $0xFFFF;
	s2 =	simm.s32 @!p0 $0x1C03  }
0x9b: {  	[timem:s3], [sflag:s2] =	dma.local @!p0 [hbm:s0], s1  }
0x9c: {  	s0 =	simm.s32 @!p0 $0x3  }
0x9d: {  	_ =	swait.ge @!p0 [sflag:s0], s1  }
0x9e: {  	s1 =	ssub.s32 @!p0 $0x0, s1;
	[sflag:s0] =	ssyncset.done @!p0 $0x0  }
0x9f: {  	[sflag:s0] =	ssyncadd.s32 @!p0 s1  }
0xa0: {  	[bflag:$0x3] =	sbarrier.arrive $0xFFFF  }
0xa1: {  	_ =	shalt  }

</sc_bundles>
